<compile_context>
chip_gen: v7x
topology: tpu7x:2x2x1
jax: 0.10.2.dev20260603
libtpu: 0.0.44.dev20260713+nightly
codegen_flags: <defaults>
</compile_context>

<pallas_src>
import functools

import jax
import jax.numpy as jnp
from jax import lax
from jax.experimental import pallas as pl
from jax.experimental.pallas import tpu as pltpu
from jax.experimental.pallas import tpu_sc as plsc

NUM_CLASS = 100000
N_CLS_CTX = 4
CTX_DIM = 512
TOK_LEN = 77
BATCH = 4096
PREFIX_LEN = 5
SUFFIX_LEN = 68

NUM_CORES = 2
NUM_SUBCORES = 16
NW = NUM_CORES * NUM_SUBCORES
N_MID_W = 2 * N_CLS_CTX
N_BC_PLANES = TOK_LEN - N_CLS_CTX

ROWS3 = BATCH * (CTX_DIM // 128)
HROWS = ROWS3 // 2
GRP = 128
N_GRP_H = HROWS // GRP
BB_ROWS = 256
FIRES = ROWS3 // BB_ROWS
UPP = 8
FPU = FIRES // UPP
UNITS = N_BC_PLANES * UPP
MID_U = 11
BC_U_BASE = N_MID_W * MID_U
N_BC_W = NW - N_MID_W
BC_Q = (UNITS - BC_U_BASE) // N_BC_W
BC_EXTRA = (UNITS - BC_U_BASE) - N_BC_W * BC_Q


def _bc_units(ustart, nu, n_slots, bb0, bb1, bc_hbm, out_hbm, sem_w):
    uend = ustart + nu
    p0 = ustart // UPP

    def _bounds(s):
        p = p0 + s
        lo = jnp.maximum(ustart, UPP * p)
        hi = jnp.minimum(uend, UPP * p + UPP)
        return p, lo, hi

    def _drain(bb, count16):
        def d(k, _):
            pltpu.make_async_copy(
                bb, out_hbm.at[0, pl.ds(0, BB_ROWS)], sem_w).wait()
            return 0

        lax.fori_loop(0, count16 * FPU, d, 0)

    for s in range(n_slots):
        p, lo, hi = _bounds(s)
        bb = (bb0, bb1)[s % 2]

        if s >= 2:
            _, lo2, hi2 = _bounds(s - 2)
            _drain(bb, jnp.maximum(hi2 - lo2, 0))

        @pl.when(hi > lo)
        def _(s=s, p=p, lo=lo, hi=hi, bb=bb):
            t = jnp.where(p < PREFIX_LEN, p, p + N_CLS_CTX)
            pltpu.sync_copy(bc_hbm.at[p], bb)

            def fire(k, _):
                pltpu.async_copy(
                    bb, out_hbm.at[t, pl.ds(k * BB_ROWS, BB_ROWS)], sem_w)
                return 0

            lax.fori_loop((lo - UPP * p) * FPU, (hi - UPP * p) * FPU, fire, 0)

    for s in (n_slots - 2, n_slots - 1):
        if s < 0:
            continue
        _, lo, hi = _bounds(s)
        _drain((bb0, bb1)[s % 2], jnp.maximum(hi - lo, 0))


def _body(lab_hbm, table_hbm, bc_hbm, out_hbm,
          lab_v, idx_v, g0, g1, bb0, bb1,
          sem_g0, sem_g1, sem_m0, sem_m1, sem_w):
    w = lax.axis_index("s") * NUM_CORES + lax.axis_index("c")

    @pl.when(w < N_MID_W)
    def _mid():
        j = w >> 1
        h = w & 1
        t = PREFIX_LEN + j
        base3 = h * HROWS
        pltpu.sync_copy(lab_hbm.at[pl.ds(h * (BATCH // 2), BATCH // 2)], lab_v)

        def build(k, _):
            io = lax.iota(jnp.int32, 16)
            lv = lab_v[pl.ds(k * 16, 16)] * 16 + j
            lo = lv.at[io & 7].get(mode="promise_in_bounds")
            hi = lv.at[8 + (io & 7)].get(mode="promise_in_bounds")
            c01 = (io >> 3) * 4
            idx_v[pl.ds(k * 64, 16)] = lo + c01
            idx_v[pl.ds(k * 64 + 16, 16)] = lo + c01 + 8
            idx_v[pl.ds(k * 64 + 32, 16)] = hi + c01
            idx_v[pl.ds(k * 64 + 48, 16)] = hi + c01 + 8
            return 0

        lax.fori_loop(0, BATCH // 2 // 16, build, 0)

        def pair(k, _):
            g = 2 * k

            @pl.when(k >= 1)
            def _():
                pltpu.make_async_copy(
                    g0, out_hbm.at[0, pl.ds(0, GRP)], sem_m0).wait()
                pltpu.make_async_copy(
                    g1, out_hbm.at[0, pl.ds(0, GRP)], sem_m1).wait()

            c0 = pltpu.async_copy(
                table_hbm.at[idx_v.at[pl.ds(g * GRP, GRP)]], g0, sem_g0)
            c1 = pltpu.async_copy(
                table_hbm.at[idx_v.at[pl.ds((g + 1) * GRP, GRP)]], g1, sem_g1)
            c0.wait()
            pltpu.async_copy(
                g0, out_hbm.at[t, pl.ds(base3 + g * GRP, GRP)], sem_m0)
            c1.wait()
            pltpu.async_copy(
                g1, out_hbm.at[t, pl.ds(base3 + (g + 1) * GRP, GRP)], sem_m1)
            return 0

        lax.fori_loop(0, N_GRP_H // 2, pair, 0)
        pltpu.make_async_copy(g0, out_hbm.at[0, pl.ds(0, GRP)], sem_m0).wait()
        pltpu.make_async_copy(g1, out_hbm.at[0, pl.ds(0, GRP)], sem_m1).wait()
        _bc_units(w * MID_U, MID_U, 3, bb0, bb1, bc_hbm, out_hbm, sem_w)

    @pl.when(w >= N_MID_W)
    def _bcast():
        i = w - N_MID_W
        nu = BC_Q + jnp.where(i < BC_EXTRA, 1, 0)
        ustart = BC_U_BASE + i * BC_Q + jnp.minimum(i, BC_EXTRA)
        _bc_units(ustart, nu, 4, bb0, bb1, bc_hbm, out_hbm, sem_w)


def kernel(label, cls_ctx, token_prefix, token_suffix):
    table = (cls_ctx.reshape(NUM_CLASS, N_CLS_CTX, 4, 128)
             .transpose(0, 2, 1, 3).reshape(NUM_CLASS * 16, 128))
    toks = jnp.concatenate([
        token_prefix.reshape(PREFIX_LEN, 4, 128),
        token_suffix.reshape(SUFFIX_LEN, 4, 128),
    ])
    bc = jnp.broadcast_to(
        toks[:, None, :, None, :],
        (N_BC_PLANES, BB_ROWS // 32, 4, 8, 128),
    ).reshape(N_BC_PLANES, BB_ROWS, 128)
    lab = label.astype(jnp.int32)

    mesh = plsc.VectorSubcoreMesh(
        core_axis_name="c", subcore_axis_name="s",
        num_cores=NUM_CORES, num_subcores=NUM_SUBCORES,
    )
    run = functools.partial(
        pl.kernel,
        out_type=jax.ShapeDtypeStruct((TOK_LEN, ROWS3, 128), jnp.float32),
        mesh=mesh,
        scratch_types=[
            pltpu.VMEM((BATCH // 2,), jnp.int32),
            pltpu.VMEM((HROWS,), jnp.int32),
            pltpu.VMEM((GRP, 128), jnp.float32),
            pltpu.VMEM((GRP, 128), jnp.float32),
            pltpu.VMEM((BB_ROWS, 128), jnp.float32),
            pltpu.VMEM((BB_ROWS, 128), jnp.float32),
            pltpu.SemaphoreType.DMA,
            pltpu.SemaphoreType.DMA,
            pltpu.SemaphoreType.DMA,
            pltpu.SemaphoreType.DMA,
            pltpu.SemaphoreType.DMA,
        ],
    )(_body)
    out = run(lab, table, bc)
    return (out.reshape(TOK_LEN, BATCH // 8, 4, 8, 128)
            .transpose(1, 3, 0, 2, 4).reshape(BATCH, TOK_LEN, CTX_DIM))

# --- scband reference (transcript-rebuilt; emitter-appended) ---
"""Pipeline reference for scband-prompt-learner-80582176408025 (READ-ONLY COPY).

The authoritative reference and input builder live on the scoring server;
editing this copy changes nothing except your own understanding.
"""

import jax, jax.numpy as jnp
import numpy as np

NUM_CLASS = 100000
N_CLS_CTX = 4
CTX_DIM = 512
N_CTX = 4
TOK_LEN = 77  # CLIP tokenize context length
BATCH = 4096

PREFIX_LEN = N_CTX + 1  # 5
SUFFIX_LEN = TOK_LEN - (N_CTX + 1 + N_CLS_CTX)  # 68


def setup_inputs(seed: int = 0) -> dict:
    key = jax.random.key(seed)
    k1, k2, k3, k4 = jax.random.split(key, 4)
    label = jax.random.randint(k1, (BATCH,), 0, NUM_CLASS, dtype=jnp.int64) if jax.config.jax_enable_x64 else jax.random.randint(k1, (BATCH,), 0, NUM_CLASS, dtype=jnp.int32)
    # learned per-class context vectors, init std=0.02 as in the torch module
    cls_ctx = 0.02 * jax.random.normal(k2, (NUM_CLASS, N_CLS_CTX, CTX_DIM), dtype=jnp.float32)
    # frozen buffers sliced from the token embedding of the init prompt
    token_prefix = jax.random.normal(k3, (1, PREFIX_LEN, CTX_DIM), dtype=jnp.float32)
    token_suffix = jax.random.normal(k4, (1, SUFFIX_LEN, CTX_DIM), dtype=jnp.float32)
    return {"label": label, "cls_ctx": cls_ctx, "token_prefix": token_prefix, "token_suffix": token_suffix}


def reference(label, cls_ctx, token_prefix, token_suffix):
    # cls_ctx = self.cls_ctx[label]  -> embedding gather
    gathered = jnp.take(cls_ctx, label, axis=0)  # [b, 4, 512]
    b = label.shape[0]
    prefix = jnp.broadcast_to(token_prefix, (b, token_prefix.shape[1], token_prefix.shape[2]))
    suffix = jnp.broadcast_to(token_suffix, (b, token_suffix.shape[1], token_suffix.shape[2]))
    prompts = jnp.concatenate([prefix, gathered, suffix], axis=1)  # [b, 77, 512]
    return prompts

if __name__ == "__main__":
    import jax
    _d = setup_inputs()
    print(jax.jit(kernel)(*tuple(_d.values())))

</pallas_src>

<mosaic_0001>
#map = affine_map<(d0, d1) -> (0)>
#map1 = affine_map<(d0, d1) -> (0, 0)>
#map2 = affine_map<(d0, d1) -> (0, 0, 0)>
module attributes {stable_mosaic.version = 14 : i64} {
  func.func @_body(%arg0: i32, %arg1: i32, %arg2: memref<4096xi32, #tpu.memory_space<hbm>>, %arg3: memref<1600000x128xf32, #tpu.memory_space<hbm>>, %arg4: memref<73x256x128xf32, #tpu.memory_space<hbm>>, %arg5: memref<77x16384x128xf32, #tpu.memory_space<hbm>>, %arg6: memref<2048xi32, #tpu.memory_space<vmem>>, %arg7: memref<8192xi32, #tpu.memory_space<vmem>>, %arg8: memref<128x128xf32, #tpu.memory_space<vmem>>, %arg9: memref<128x128xf32, #tpu.memory_space<vmem>>, %arg10: memref<256x128xf32, #tpu.memory_space<vmem>>, %arg11: memref<256x128xf32, #tpu.memory_space<vmem>>, %arg12: memref<!tpu.dma_semaphore, #tpu.memory_space<semaphore_mem>>, %arg13: memref<!tpu.dma_semaphore, #tpu.memory_space<semaphore_mem>>, %arg14: memref<!tpu.dma_semaphore, #tpu.memory_space<semaphore_mem>>, %arg15: memref<!tpu.dma_semaphore, #tpu.memory_space<semaphore_mem>>, %arg16: memref<!tpu.dma_semaphore, #tpu.memory_space<semaphore_mem>>) attributes {dimension_semantics = [#tpu.dimension_semantics<core_parallel>, #tpu.dimension_semantics<subcore_parallel>], iteration_bounds = array<i64: 2, 16>, scalar_prefetch = 0 : i64, scratch_operands = 11 : i64, tpu.core_type = #tpu.core_type<sc_vector_subcore>, window_params = [{transform_indices = #map}, {transform_indices = #map1}, {transform_indices = #map2}, {transform_indices = #map2}]} {
    %mul3A = arith.constant 2 : i32
    %mul3A_0 = arith.muli %arg1, %mul3A : i32
    %add3A = arith.addi %mul3A_0, %arg0 : i32
    %lt3A = arith.constant 8 : i32
    %lt3A_1 = arith.cmpi slt, %add3A, %lt3A : i32
    %convert_element_type3A = arith.extui %lt3A_1 : i1 to i32
    %cond3A = arith.constant 0 : i32
    %cond3A_2 = arith.cmpi ne, %convert_element_type3A, %cond3A : i32
    scf.if %cond3A_2 {
      %shift_right_arithmetic3A = arith.constant 1 : i32
      %shift_right_arithmetic3A_7 = arith.shrsi %add3A, %shift_right_arithmetic3A : i32
      %and3A = arith.constant 1 : i32
      %and3A_8 = arith.andi %add3A, %and3A : i32
      %add3A_9 = arith.constant 5 : i32
      %add3A_10 = arith.addi %add3A_9, %shift_right_arithmetic3A_7 : i32
      %mul3A_11 = arith.constant 8192 : i32
      %mul3A_12 = arith.muli %and3A_8, %mul3A_11 : i32
      %mul3A_13 = arith.constant 2048 : i32
      %mul3A_14 = arith.muli %and3A_8, %mul3A_13 : i32
      "tpu.region"() ({
        %run_scoped3A = tpu.sem_alloc : memref<!tpu.dma_semaphore, #tpu.memory_space<semaphore_mem>>
        %dma_start3A = tpu.memref_slice %arg2[%mul3A_14] : memref<4096xi32, #tpu.memory_space<hbm>> -> memref<2048xi32, #tpu.memory_space<hbm>>
        %dma_start3A_185 = tpu.memref_slice %arg2[%mul3A_14] : memref<4096xi32, #tpu.memory_space<hbm>> -> memref<2048xi32, #tpu.memory_space<hbm>>
        tpu.enqueue_dma source(%dma_start3A_185 : memref<2048xi32, #tpu.memory_space<hbm>>) target(%arg6 : memref<2048xi32, #tpu.memory_space<vmem>>) target_semaphore(%run_scoped3A : memref<!tpu.dma_semaphore, #tpu.memory_space<semaphore_mem>>)
        %dma_wait3A_186 = tpu.memref_slice %arg2[%mul3A_14] : memref<4096xi32, #tpu.memory_space<hbm>> -> memref<2048xi32, #tpu.memory_space<hbm>>
        %dma_wait3A_187 = tpu.memref_slice %arg2[%mul3A_14] : memref<4096xi32, #tpu.memory_space<hbm>> -> memref<2048xi32, #tpu.memory_space<hbm>>
        tpu.wait_dma2 semaphore(%run_scoped3A : memref<!tpu.dma_semaphore, #tpu.memory_space<semaphore_mem>>) src(%dma_wait3A_187 : memref<2048xi32, #tpu.memory_space<hbm>>) dst(%arg6 : memref<2048xi32, #tpu.memory_space<vmem>>)
        tpu.yield
      }) : () -> ()
      %scan3A = arith.constant 0 : i32
      %scan3A_15 = arith.constant 0 : i32
      %scan3A_16 = arith.constant 128 : i32
      %scan3A_17 = arith.addi %scan3A_15, %scan3A_16 : i32
      %scan3A_18 = arith.constant 1 : i32
      %scan3A_19 = scf.for %scan3A_185 = %scan3A_15 to %scan3A_17 step %scan3A_18 iter_args(%scan3A_186 = %scan3A) -> (i32)  : i32 {
        %iota3A = tpu.iota {dimensions = array<i32: 0>} : vector<16xi32>
        %mul3A_187 = arith.constant 16 : i32
        %mul3A_188 = arith.muli %scan3A_185, %mul3A_187 : i32
        %get3A = arith.index_cast %mul3A_188 : i32 to index
        %get3A_189 = tpu.vector_load %arg6[%get3A] {strides = array<i32>} : memref<2048xi32, #tpu.memory_space<vmem>>, vector<16xi32>,
        %get3A_190 = vector.shape_cast %get3A_189 : vector<16xi32> to vector<16xi32>
        %mul3A_191 = arith.constant 16 : i32
        %mul3A_192 = vector.broadcast %mul3A_191 : i32 to vector<16xi32>
        %mul3A_193 = arith.muli %get3A_190, %mul3A_192 : vector<16xi32>
        %add3A_194 = vector.broadcast %shift_right_arithmetic3A_7 : i32 to vector<16xi32>
        %add3A_195 = arith.addi %mul3A_193, %add3A_194 : vector<16xi32>
        %and3A_196 = arith.constant 7 : i32
        %and3A_197 = vector.broadcast %and3A_196 : i32 to vector<16xi32>
        %and3A_198 = arith.andi %iota3A, %and3A_197 : vector<16xi32>
        %lt3A_199 = arith.constant 0 : i32
        %lt3A_200 = vector.broadcast %lt3A_199 : i32 to vector<16xi32>
        %lt3A_201 = arith.cmpi slt, %and3A_198, %lt3A_200 : vector<16xi32>
        %add3A_202 = arith.constant 16 : i32
        %add3A_203 = vector.broadcast %add3A_202 : i32 to vector<16xi32>
        %add3A_204 = arith.addi %and3A_198, %add3A_203 : vector<16xi32>
        %select_n3A_205 = arith.select %lt3A_201, %add3A_204, %and3A_198 : vector<16xi1>, vector<16xi32>
        %broadcast_in_dim3A = vector.shape_cast %select_n3A_205 : vector<16xi32> to vector<16x1xi32>
        %gather3A = vector.shape_cast %broadcast_in_dim3A : vector<16x1xi32> to vector<16xi32>
        %gather3A_206 = tpu.dynamic_gather %add3A_195[%gather3A] in [0] : vector<16xi32>, vector<16xi32> -> vector<16xi32>
        %and3A_207 = arith.constant 7 : i32
        %and3A_208 = vector.broadcast %and3A_207 : i32 to vector<16xi32>
        %and3A_209 = arith.andi %iota3A, %and3A_208 : vector<16xi32>
        %add3A_210 = arith.constant 8 : i32
        %add3A_211 = vector.broadcast %add3A_210 : i32 to vector<16xi32>
        %add3A_212 = arith.addi %add3A_211, %and3A_209 : vector<16xi32>
        %lt3A_213 = arith.constant 0 : i32
        %lt3A_214 = vector.broadcast %lt3A_213 : i32 to vector<16xi32>
        %lt3A_215 = arith.cmpi slt, %add3A_212, %lt3A_214 : vector<16xi32>
        %add3A_216 = arith.constant 16 : i32
        %add3A_217 = vector.broadcast %add3A_216 : i32 to vector<16xi32>
        %add3A_218 = arith.addi %add3A_212, %add3A_217 : vector<16xi32>
        %select_n3A_219 = arith.select %lt3A_215, %add3A_218, %add3A_212 : vector<16xi1>, vector<16xi32>
        %broadcast_in_dim3A_220 = vector.shape_cast %select_n3A_219 : vector<16xi32> to vector<16x1xi32>
        %gather3A_221 = vector.shape_cast %broadcast_in_dim3A_220 : vector<16x1xi32> to vector<16xi32>
        %gather3A_222 = tpu.dynamic_gather %add3A_195[%gather3A_221] in [0] : vector<16xi32>, vector<16xi32> -> vector<16xi32>
        %shift_right_arithmetic3A_223 = arith.constant 3 : i32
        %shift_right_arithmetic3A_224 = vector.broadcast %shift_right_arithmetic3A_223 : i32 to vector<16xi32>
        %shift_right_arithmetic3A_225 = arith.shrsi %iota3A, %shift_right_arithmetic3A_224 : vector<16xi32>
        %mul3A_226 = arith.constant 4 : i32
        %mul3A_227 = vector.broadcast %mul3A_226 : i32 to vector<16xi32>
        %mul3A_228 = arith.muli %shift_right_arithmetic3A_225, %mul3A_227 : vector<16xi32>
        %add3A_229 = arith.addi %gather3A_206, %mul3A_228 : vector<16xi32>
        %mul3A_230 = arith.constant 64 : i32
        %mul3A_231 = arith.muli %scan3A_185, %mul3A_230 : i32
        %swap3A = arith.index_cast %mul3A_231 : i32 to index
        %swap3A_232 = tpu.vector_load %arg7[%swap3A] {strides = array<i32>} : memref<8192xi32, #tpu.memory_space<vmem>>, vector<16xi32>,
        %swap3A_233 = vector.shape_cast %swap3A_232 : vector<16xi32> to vector<16xi32>
        %swap3A_234 = vector.shape_cast %add3A_229 : vector<16xi32> to vector<16xi32>
        tpu.vector_store %arg7[%swap3A], %swap3A_234 {strides = array<i32>} : memref<8192xi32, #tpu.memory_space<vmem>>, vector<16xi32>,
        %add3A_235 = arith.addi %gather3A_206, %mul3A_228 : vector<16xi32>
        %add3A_236 = arith.constant 8 : i32
        %add3A_237 = vector.broadcast %add3A_236 : i32 to vector<16xi32>
        %add3A_238 = arith.addi %add3A_235, %add3A_237 : vector<16xi32>
        %mul3A_239 = arith.constant 64 : i32
        %mul3A_240 = arith.muli %scan3A_185, %mul3A_239 : i32
        %add3A_241 = arith.constant 16 : i32
        %add3A_242 = arith.addi %mul3A_240, %add3A_241 : i32
        %swap3A_243 = arith.index_cast %add3A_242 : i32 to index
        %swap3A_244 = tpu.vector_load %arg7[%swap3A_243] {strides = array<i32>} : memref<8192xi32, #tpu.memory_space<vmem>>, vector<16xi32>,
        %swap3A_245 = vector.shape_cast %swap3A_244 : vector<16xi32> to vector<16xi32>
        %swap3A_246 = vector.shape_cast %add3A_238 : vector<16xi32> to vector<16xi32>
        tpu.vector_store %arg7[%swap3A_243], %swap3A_246 {strides = array<i32>} : memref<8192xi32, #tpu.memory_space<vmem>>, vector<16xi32>,
        %add3A_247 = arith.addi %gather3A_222, %mul3A_228 : vector<16xi32>
        %mul3A_248 = arith.constant 64 : i32
        %mul3A_249 = arith.muli %scan3A_185, %mul3A_248 : i32
        %add3A_250 = arith.constant 32 : i32
        %add3A_251 = arith.addi %mul3A_249, %add3A_250 : i32
        %swap3A_252 = arith.index_cast %add3A_251 : i32 to index
        %swap3A_253 = tpu.vector_load %arg7[%swap3A_252] {strides = array<i32>} : memref<8192xi32, #tpu.memory_space<vmem>>, vector<16xi32>,
        %swap3A_254 = vector.shape_cast %swap3A_253 : vector<16xi32> to vector<16xi32>
        %swap3A_255 = vector.shape_cast %add3A_247 : vector<16xi32> to vector<16xi32>
        tpu.vector_store %arg7[%swap3A_252], %swap3A_255 {strides = array<i32>} : memref<8192xi32, #tpu.memory_space<vmem>>, vector<16xi32>,
        %add3A_256 = arith.addi %gather3A_222, %mul3A_228 : vector<16xi32>
        %add3A_257 = arith.constant 8 : i32
        %add3A_258 = vector.broadcast %add3A_257 : i32 to vector<16xi32>
        %add3A_259 = arith.addi %add3A_256, %add3A_258 : vector<16xi32>
        %mul3A_260 = arith.constant 64 : i32
        %mul3A_261 = arith.muli %scan3A_185, %mul3A_260 : i32
        %add3A_262 = arith.constant 48 : i32
        %add3A_263 = arith.addi %mul3A_261, %add3A_262 : i32
        %swap3A_264 = arith.index_cast %add3A_263 : i32 to index
        %swap3A_265 = tpu.vector_load %arg7[%swap3A_264] {strides = array<i32>} : memref<8192xi32, #tpu.memory_space<vmem>>, vector<16xi32>,
        %swap3A_266 = vector.shape_cast %swap3A_265 : vector<16xi32> to vector<16xi32>
        %swap3A_267 = vector.shape_cast %add3A_259 : vector<16xi32> to vector<16xi32>
        tpu.vector_store %arg7[%swap3A_264], %swap3A_267 {strides = array<i32>} : memref<8192xi32, #tpu.memory_space<vmem>>, vector<16xi32>,
        %scan3A_268 = arith.constant 0 : i32
        scf.yield %scan3A_268 : i32
      }
      %scan3A_20 = arith.constant 128 : i32
      %scan3A_21 = arith.constant 0 : i32
      %scan3A_22 = arith.constant 0 : i32
      %scan3A_23 = arith.constant 32 : i32
      %scan3A_24 = arith.addi %scan3A_22, %scan3A_23 : i32
      %scan3A_25 = arith.constant 1 : i32
      %scan3A_26 = scf.for %scan3A_185 = %scan3A_22 to %scan3A_24 step %scan3A_25 iter_args(%scan3A_186 = %scan3A_21) -> (i32)  : i32 {
        %mul3A_187 = arith.constant 2 : i32
        %mul3A_188 = arith.muli %mul3A_187, %scan3A_185 : i32
        %ge3A_189 = arith.constant 1 : i32
        %ge3A_190 = arith.cmpi sge, %scan3A_185, %ge3A_189 : i32
        %convert_element_type3A_191 = arith.extui %ge3A_190 : i1 to i32
        %cond3A_192 = arith.constant 0 : i32
        %cond3A_193 = arith.cmpi ne, %convert_element_type3A_191, %cond3A_192 : i32
        scf.if %cond3A_193 {
          %dma_wait3A_236 = arith.constant 0 : i32
          %dma_wait3A_237 = arith.constant 0 : i32
          %dma_wait3A_238 = arith.constant 0 : i32
          %dma_wait3A_239 = tpu.memref_slice %arg5[%dma_wait3A_236, %dma_wait3A_237, %dma_wait3A_238] : memref<77x16384x128xf32, #tpu.memory_space<hbm>> -> memref<1x128x128xf32, #tpu.memory_space<hbm>>
          %dma_wait3A_240 = tpu.memref_squeeze %dma_wait3A_239 : memref<1x128x128xf32, #tpu.memory_space<hbm>> -> memref<128x128xf32, #tpu.memory_space<hbm>>
          %dma_wait3A_241 = arith.constant 0 : i32
          %dma_wait3A_242 = arith.constant 0 : i32
          %dma_wait3A_243 = tpu.memref_slice %arg5[%dma_wait3A_236, %dma_wait3A_241, %dma_wait3A_242] : memref<77x16384x128xf32, #tpu.memory_space<hbm>> -> memref<1x128x128xf32, #tpu.memory_space<hbm>>
          %dma_wait3A_244 = tpu.memref_squeeze %dma_wait3A_243 : memref<1x128x128xf32, #tpu.memory_space<hbm>> -> memref<128x128xf32, #tpu.memory_space<hbm>>
          tpu.wait_dma2 semaphore(%arg14 : memref<!tpu.dma_semaphore, #tpu.memory_space<semaphore_mem>>) src(%arg8 : memref<128x128xf32, #tpu.memory_space<vmem>>) dst(%dma_wait3A_244 : memref<128x128xf32, #tpu.memory_space<hbm>>)
          %dma_wait3A_245 = arith.constant 0 : i32
          %dma_wait3A_246 = arith.constant 0 : i32
          %dma_wait3A_247 = arith.constant 0 : i32
          %dma_wait3A_248 = tpu.memref_slice %arg5[%dma_wait3A_245, %dma_wait3A_246, %dma_wait3A_247] : memref<77x16384x128xf32, #tpu.memory_space<hbm>> -> memref<1x128x128xf32, #tpu.memory_space<hbm>>
          %dma_wait3A_249 = tpu.memref_squeeze %dma_wait3A_248 : memref<1x128x128xf32, #tpu.memory_space<hbm>> -> memref<128x128xf32, #tpu.memory_space<hbm>>
          %dma_wait3A_250 = arith.constant 0 : i32
          %dma_wait3A_251 = arith.constant 0 : i32
          %dma_wait3A_252 = tpu.memref_slice %arg5[%dma_wait3A_245, %dma_wait3A_250, %dma_wait3A_251] : memref<77x16384x128xf32, #tpu.memory_space<hbm>> -> memref<1x128x128xf32, #tpu.memory_space<hbm>>
          %dma_wait3A_253 = tpu.memref_squeeze %dma_wait3A_252 : memref<1x128x128xf32, #tpu.memory_space<hbm>> -> memref<128x128xf32, #tpu.memory_space<hbm>>
          tpu.wait_dma2 semaphore(%arg15 : memref<!tpu.dma_semaphore, #tpu.memory_space<semaphore_mem>>) src(%arg9 : memref<128x128xf32, #tpu.memory_space<vmem>>) dst(%dma_wait3A_253 : memref<128x128xf32, #tpu.memory_space<hbm>>)
        } else {
        }
        %mul3A_194 = arith.constant 128 : i32
        %mul3A_195 = arith.muli %mul3A_188, %mul3A_194 : i32
        %dma_start3A = tpu.memref_slice %arg7[%mul3A_195] : memref<8192xi32, #tpu.memory_space<vmem>> -> memref<128xi32, #tpu.memory_space<vmem>>
        %dma_start3A_196 = arith.constant 0 : i32
        %dma_start3A_197 = arith.constant 0 : i32
        %dma_start3A_198 = tpu.memref_slice %arg3[%dma_start3A_196, %dma_start3A_197] : memref<1600000x128xf32, #tpu.memory_space<hbm>> -> memref<1600000x128xf32, #tpu.memory_space<hbm>>
        tpu.enqueue_indirect_dma source(%dma_start3A_198 : memref<1600000x128xf32, #tpu.memory_space<hbm>>) target(%arg8 : memref<128x128xf32, #tpu.memory_space<vmem>>) offsets(%dma_start3A : memref<128xi32, #tpu.memory_space<vmem>>) semaphore(%arg12 : memref<!tpu.dma_semaphore, #tpu.memory_space<semaphore_mem>>)
        %add3A_199 = arith.constant 1 : i32
        %add3A_200 = arith.addi %mul3A_188, %add3A_199 : i32
        %mul3A_201 = arith.constant 128 : i32
        %mul3A_202 = arith.muli %add3A_200, %mul3A_201 : i32
        %dma_start3A_203 = tpu.memref_slice %arg7[%mul3A_202] : memref<8192xi32, #tpu.memory_space<vmem>> -> memref<128xi32, #tpu.memory_space<vmem>>
        %dma_start3A_204 = arith.constant 0 : i32
        %dma_start3A_205 = arith.constant 0 : i32
        %dma_start3A_206 = tpu.memref_slice %arg3[%dma_start3A_204, %dma_start3A_205] : memref<1600000x128xf32, #tpu.memory_space<hbm>> -> memref<1600000x128xf32, #tpu.memory_space<hbm>>
        tpu.enqueue_indirect_dma source(%dma_start3A_206 : memref<1600000x128xf32, #tpu.memory_space<hbm>>) target(%arg9 : memref<128x128xf32, #tpu.memory_space<vmem>>) offsets(%dma_start3A_203 : memref<128xi32, #tpu.memory_space<vmem>>) semaphore(%arg13 : memref<!tpu.dma_semaphore, #tpu.memory_space<semaphore_mem>>)
        %dma_wait3A_207 = tpu.memref_slice %arg7[%mul3A_195] : memref<8192xi32, #tpu.memory_space<vmem>> -> memref<128xi32, #tpu.memory_space<vmem>>
        %dma_wait3A_208 = arith.constant 0 : i32
        %dma_wait3A_209 = arith.constant 0 : i32
        %dma_wait3A_210 = tpu.memref_slice %arg3[%dma_wait3A_208, %dma_wait3A_209] : memref<1600000x128xf32, #tpu.memory_space<hbm>> -> memref<1600000x128xf32, #tpu.memory_space<hbm>>
        tpu.wait_indirect_dma semaphore(%arg12 : memref<!tpu.dma_semaphore, #tpu.memory_space<semaphore_mem>>) src(%dma_wait3A_210 : memref<1600000x128xf32, #tpu.memory_space<hbm>>) dst(%arg8 : memref<128x128xf32, #tpu.memory_space<vmem>>)
        %mul3A_211 = arith.constant 128 : i32
        %mul3A_212 = arith.muli %mul3A_188, %mul3A_211 : i32
        %add3A_213 = arith.addi %mul3A_12, %mul3A_212 : i32
        %dma_start3A_214 = arith.constant 0 : i32
        %dma_start3A_215 = tpu.memref_slice %arg5[%add3A_10, %add3A_213, %dma_start3A_214] : memref<77x16384x128xf32, #tpu.memory_space<hbm>> -> memref<1x128x128xf32, #tpu.memory_space<hbm>>
        %dma_start3A_216 = tpu.memref_squeeze %dma_start3A_215 : memref<1x128x128xf32, #tpu.memory_space<hbm>> -> memref<128x128xf32, #tpu.memory_space<hbm>>
        %dma_start3A_217 = arith.constant 0 : i32
        %dma_start3A_218 = tpu.memref_slice %arg5[%add3A_10, %add3A_213, %dma_start3A_217] : memref<77x16384x128xf32, #tpu.memory_space<hbm>> -> memref<1x128x128xf32, #tpu.memory_space<hbm>>
        %dma_start3A_219 = tpu.memref_squeeze %dma_start3A_218 : memref<1x128x128xf32, #tpu.memory_space<hbm>> -> memref<128x128xf32, #tpu.memory_space<hbm>>
        tpu.enqueue_dma source(%arg8 : memref<128x128xf32, #tpu.memory_space<vmem>>) target(%dma_start3A_219 : memref<128x128xf32, #tpu.memory_space<hbm>>) target_semaphore(%arg14 : memref<!tpu.dma_semaphore, #tpu.memory_space<semaphore_mem>>)
        %dma_wait3A_220 = tpu.memref_slice %arg7[%mul3A_202] : memref<8192xi32, #tpu.memory_space<vmem>> -> memref<128xi32, #tpu.memory_space<vmem>>
        %dma_wait3A_221 = arith.constant 0 : i32
        %dma_wait3A_222 = arith.constant 0 : i32
        %dma_wait3A_223 = tpu.memref_slice %arg3[%dma_wait3A_221, %dma_wait3A_222] : memref<1600000x128xf32, #tpu.memory_space<hbm>> -> memref<1600000x128xf32, #tpu.memory_space<hbm>>
        tpu.wait_indirect_dma semaphore(%arg13 : memref<!tpu.dma_semaphore, #tpu.memory_space<semaphore_mem>>) src(%dma_wait3A_223 : memref<1600000x128xf32, #tpu.memory_space<hbm>>) dst(%arg9 : memref<128x128xf32, #tpu.memory_space<vmem>>)
        %add3A_224 = arith.constant 1 : i32
        %add3A_225 = arith.addi %mul3A_188, %add3A_224 : i32
        %mul3A_226 = arith.constant 128 : i32
        %mul3A_227 = arith.muli %add3A_225, %mul3A_226 : i32
        %add3A_228 = arith.addi %mul3A_12, %mul3A_227 : i32
        %dma_start3A_229 = arith.constant 0 : i32
        %dma_start3A_230 = tpu.memref_slice %arg5[%add3A_10, %add3A_228, %dma_start3A_229] : memref<77x16384x128xf32, #tpu.memory_space<hbm>> -> memref<1x128x128xf32, #tpu.memory_space<hbm>>
        %dma_start3A_231 = tpu.memref_squeeze %dma_start3A_230 : memref<1x128x128xf32, #tpu.memory_space<hbm>> -> memref<128x128xf32, #tpu.memory_space<hbm>>
        %dma_start3A_232 = arith.constant 0 : i32
        %dma_start3A_233 = tpu.memref_slice %arg5[%add3A_10, %add3A_228, %dma_start3A_232] : memref<77x16384x128xf32, #tpu.memory_space<hbm>> -> memref<1x128x128xf32, #tpu.memory_space<hbm>>
        %dma_start3A_234 = tpu.memref_squeeze %dma_start3A_233 : memref<1x128x128xf32, #tpu.memory_space<hbm>> -> memref<128x128xf32, #tpu.memory_space<hbm>>
        tpu.enqueue_dma source(%arg9 : memref<128x128xf32, #tpu.memory_space<vmem>>) target(%dma_start3A_234 : memref<128x128xf32, #tpu.memory_space<hbm>>) target_semaphore(%arg15 : memref<!tpu.dma_semaphore, #tpu.memory_space<semaphore_mem>>)
        %scan3A_235 = arith.constant 0 : i32
        scf.yield %scan3A_235 : i32
      }
      %scan3A_27 = arith.constant 32 : i32
      %dma_wait3A = arith.constant 0 : i32
      %dma_wait3A_28 = arith.constant 0 : i32
      %dma_wait3A_29 = arith.constant 0 : i32
      %dma_wait3A_30 = tpu.memref_slice %arg5[%dma_wait3A, %dma_wait3A_28, %dma_wait3A_29] : memref<77x16384x128xf32, #tpu.memory_space<hbm>> -> memref<1x128x128xf32, #tpu.memory_space<hbm>>
      %dma_wait3A_31 = tpu.memref_squeeze %dma_wait3A_30 : memref<1x128x128xf32, #tpu.memory_space<hbm>> -> memref<128x128xf32, #tpu.memory_space<hbm>>
      %dma_wait3A_32 = arith.constant 0 : i32
      %dma_wait3A_33 = arith.constant 0 : i32
      %dma_wait3A_34 = tpu.memref_slice %arg5[%dma_wait3A, %dma_wait3A_32, %dma_wait3A_33] : memref<77x16384x128xf32, #tpu.memory_space<hbm>> -> memref<1x128x128xf32, #tpu.memory_space<hbm>>
      %dma_wait3A_35 = tpu.memref_squeeze %dma_wait3A_34 : memref<1x128x128xf32, #tpu.memory_space<hbm>> -> memref<128x128xf32, #tpu.memory_space<hbm>>
      tpu.wait_dma2 semaphore(%arg14 : memref<!tpu.dma_semaphore, #tpu.memory_space<semaphore_mem>>) src(%arg8 : memref<128x128xf32, #tpu.memory_space<vmem>>) dst(%dma_wait3A_35 : memref<128x128xf32, #tpu.memory_space<hbm>>)
      %dma_wait3A_36 = arith.constant 0 : i32
      %dma_wait3A_37 = arith.constant 0 : i32
      %dma_wait3A_38 = arith.constant 0 : i32
      %dma_wait3A_39 = tpu.memref_slice %arg5[%dma_wait3A_36, %dma_wait3A_37, %dma_wait3A_38] : memref<77x16384x128xf32, #tpu.memory_space<hbm>> -> memref<1x128x128xf32, #tpu.memory_space<hbm>>
      %dma_wait3A_40 = tpu.memref_squeeze %dma_wait3A_39 : memref<1x128x128xf32, #tpu.memory_space<hbm>> -> memref<128x128xf32, #tpu.memory_space<hbm>>
      %dma_wait3A_41 = arith.constant 0 : i32
      %dma_wait3A_42 = arith.constant 0 : i32
      %dma_wait3A_43 = tpu.memref_slice %arg5[%dma_wait3A_36, %dma_wait3A_41, %dma_wait3A_42] : memref<77x16384x128xf32, #tpu.memory_space<hbm>> -> memref<1x128x128xf32, #tpu.memory_space<hbm>>
      %dma_wait3A_44 = tpu.memref_squeeze %dma_wait3A_43 : memref<1x128x128xf32, #tpu.memory_space<hbm>> -> memref<128x128xf32, #tpu.memory_space<hbm>>
      tpu.wait_dma2 semaphore(%arg15 : memref<!tpu.dma_semaphore, #tpu.memory_space<semaphore_mem>>) src(%arg9 : memref<128x128xf32, #tpu.memory_space<vmem>>) dst(%dma_wait3A_44 : memref<128x128xf32, #tpu.memory_space<hbm>>)
      %mul3A_45 = arith.constant 11 : i32
      %mul3A_46 = arith.muli %add3A, %mul3A_45 : i32
      %add3A_47 = arith.constant 11 : i32
      %add3A_48 = arith.addi %mul3A_46, %add3A_47 : i32
      %jit3A = arith.constant 8 : i32
      %div3A = arith.divsi %mul3A_46, %jit3A : i32
      %sign3A = arith.constant 0 : i32
      %sign3A_49 = arith.cmpi sgt, %mul3A_46, %sign3A : i32
      %sign3A_50 = arith.extui %sign3A_49 : i1 to i32
      %sign3A_51 = arith.constant 0 : i32
      %sign3A_52 = arith.cmpi slt, %mul3A_46, %sign3A_51 : i32
      %sign3A_53 = arith.extui %sign3A_52 : i1 to i32
      %sign3A_54 = arith.subi %sign3A_50, %sign3A_53 : i32
      %sign3A_55 = arith.constant 0 : i32
      %sign3A_56 = arith.cmpi sgt, %jit3A, %sign3A_55 : i32
      %sign3A_57 = arith.extui %sign3A_56 : i1 to i32
      %sign3A_58 = arith.constant 0 : i32
      %sign3A_59 = arith.cmpi slt, %jit3A, %sign3A_58 : i32
      %sign3A_60 = arith.extui %sign3A_59 : i1 to i32
      %sign3A_61 = arith.subi %sign3A_57, %sign3A_60 : i32
      %ne3A = arith.cmpi ne, %sign3A_54, %sign3A_61 : i32
      %rem3A = arith.remsi %mul3A_46, %jit3A : i32
      %ne3A_62 = arith.constant 0 : i32
      %ne3A_63 = arith.cmpi ne, %rem3A, %ne3A_62 : i32
      %and3A_64 = arith.andi %ne3A, %ne3A_63 : i1
      %sub3A = arith.constant 1 : i32
      %sub3A_65 = arith.subi %div3A, %sub3A : i32
      %select_n3A = arith.select %and3A_64, %sub3A_65, %div3A : i32
      %add3A_66 = arith.constant 0 : i32
      %add3A_67 = arith.addi %select_n3A, %add3A_66 : i32
      %mul3A_68 = arith.constant 8 : i32
      %mul3A_69 = arith.muli %mul3A_68, %add3A_67 : i32
      %max3A = arith.maxsi %mul3A_46, %mul3A_69 : i32
      %mul3A_70 = arith.constant 8 : i32
      %mul3A_71 = arith.muli %mul3A_70, %add3A_67 : i32
      %add3A_72 = arith.constant 8 : i32
      %add3A_73 = arith.addi %mul3A_71, %add3A_72 : i32
      %min3A = arith.minsi %add3A_48, %add3A_73 : i32
      %gt3A = arith.cmpi sgt, %min3A, %max3A : i32
      %convert_element_type3A_74 = arith.extui %gt3A : i1 to i32
      %cond3A_75 = arith.constant 0 : i32
      %cond3A_76 = arith.cmpi ne, %convert_element_type3A_74, %cond3A_75 : i32
      scf.if %cond3A_76 {
        %lt3A_185 = arith.constant 5 : i32
        %lt3A_186 = arith.cmpi slt, %add3A_67, %lt3A_185 : i32
        %add3A_187 = arith.constant 4 : i32
        %add3A_188 = arith.addi %add3A_67, %add3A_187 : i32
        %select_n3A_189 = arith.select %lt3A_186, %add3A_67, %add3A_188 : i32
        "tpu.region"() ({
          %run_scoped3A = tpu.sem_alloc : memref<!tpu.dma_semaphore, #tpu.memory_space<semaphore_mem>>
          %dma_start3A = arith.constant 0 : i32
          %dma_start3A_211 = arith.constant 0 : i32
          %dma_start3A_212 = tpu.memref_slice %arg4[%add3A_67, %dma_start3A, %dma_start3A_211] : memref<73x256x128xf32, #tpu.memory_space<hbm>> -> memref<1x256x128xf32, #tpu.memory_space<hbm>>
          %dma_start3A_213 = tpu.memref_squeeze %dma_start3A_212 : memref<1x256x128xf32, #tpu.memory_space<hbm>> -> memref<256x128xf32, #tpu.memory_space<hbm>>
          %dma_start3A_214 = arith.constant 0 : i32
          %dma_start3A_215 = arith.constant 0 : i32
          %dma_start3A_216 = tpu.memref_slice %arg4[%add3A_67, %dma_start3A_214, %dma_start3A_215] : memref<73x256x128xf32, #tpu.memory_space<hbm>> -> memref<1x256x128xf32, #tpu.memory_space<hbm>>
          %dma_start3A_217 = tpu.memref_squeeze %dma_start3A_216 : memref<1x256x128xf32, #tpu.memory_space<hbm>> -> memref<256x128xf32, #tpu.memory_space<hbm>>
          tpu.enqueue_dma source(%dma_start3A_217 : memref<256x128xf32, #tpu.memory_space<hbm>>) target(%arg10 : memref<256x128xf32, #tpu.memory_space<vmem>>) target_semaphore(%run_scoped3A : memref<!tpu.dma_semaphore, #tpu.memory_space<semaphore_mem>>)
          %dma_wait3A_218 = arith.constant 0 : i32
          %dma_wait3A_219 = arith.constant 0 : i32
          %dma_wait3A_220 = tpu.memref_slice %arg4[%add3A_67, %dma_wait3A_218, %dma_wait3A_219] : memref<73x256x128xf32, #tpu.memory_space<hbm>> -> memref<1x256x128xf32, #tpu.memory_space<hbm>>
          %dma_wait3A_221 = tpu.memref_squeeze %dma_wait3A_220 : memref<1x256x128xf32, #tpu.memory_space<hbm>> -> memref<256x128xf32, #tpu.memory_space<hbm>>
          %dma_wait3A_222 = arith.constant 0 : i32
          %dma_wait3A_223 = arith.constant 0 : i32
          %dma_wait3A_224 = tpu.memref_slice %arg4[%add3A_67, %dma_wait3A_222, %dma_wait3A_223] : memref<73x256x128xf32, #tpu.memory_space<hbm>> -> memref<1x256x128xf32, #tpu.memory_space<hbm>>
          %dma_wait3A_225 = tpu.memref_squeeze %dma_wait3A_224 : memref<1x256x128xf32, #tpu.memory_space<hbm>> -> memref<256x128xf32, #tpu.memory_space<hbm>>
          tpu.wait_dma2 semaphore(%run_scoped3A : memref<!tpu.dma_semaphore, #tpu.memory_space<semaphore_mem>>) src(%dma_wait3A_225 : memref<256x128xf32, #tpu.memory_space<hbm>>) dst(%arg10 : memref<256x128xf32, #tpu.memory_space<vmem>>)
          tpu.yield
        }) : () -> ()
        %mul3A_190 = arith.constant 8 : i32
        %mul3A_191 = arith.muli %mul3A_190, %add3A_67 : i32
        %sub3A_192 = arith.subi %max3A, %mul3A_191 : i32
        %mul3A_193 = arith.constant 8 : i32
        %mul3A_194 = arith.muli %sub3A_192, %mul3A_193 : i32
        %mul3A_195 = arith.constant 8 : i32
        %mul3A_196 = arith.muli %mul3A_195, %add3A_67 : i32
        %sub3A_197 = arith.subi %min3A, %mul3A_196 : i32
        %mul3A_198 = arith.constant 8 : i32
        %mul3A_199 = arith.muli %sub3A_197, %mul3A_198 : i32
        %while3A_200 = arith.constant 0 : i32
        %while3A_201 = arith.subi %mul3A_199, %mul3A_194 : i32
        %while3A_202 = arith.addi %mul3A_194, %while3A_201 : i32
        %while3A_203 = arith.constant 1 : i32
        %while3A_204 = arith.divsi %while3A_201, %while3A_203 : i32
        %while3A_205 = arith.muli %while3A_204, %while3A_203 : i32
        %while3A_206 = arith.addi %mul3A_194, %while3A_205 : i32
        %while3A_207 = arith.constant 1 : i32
        %while3A_208 = scf.for %while3A_211 = %mul3A_194 to %while3A_206 step %while3A_207 iter_args(%while3A_212 = %while3A_200) -> (i32)  : i32 {
          %mul3A_213 = arith.constant 256 : i32
          %mul3A_214 = arith.muli %while3A_211, %mul3A_213 : i32
          %dma_start3A = arith.constant 0 : i32
          %dma_start3A_215 = tpu.memref_slice %arg5[%select_n3A_189, %mul3A_214, %dma_start3A] : memref<77x16384x128xf32, #tpu.memory_space<hbm>> -> memref<1x256x128xf32, #tpu.memory_space<hbm>>
          %dma_start3A_216 = tpu.memref_squeeze %dma_start3A_215 : memref<1x256x128xf32, #tpu.memory_space<hbm>> -> memref<256x128xf32, #tpu.memory_space<hbm>>
          %dma_start3A_217 = arith.constant 0 : i32
          %dma_start3A_218 = tpu.memref_slice %arg5[%select_n3A_189, %mul3A_214, %dma_start3A_217] : memref<77x16384x128xf32, #tpu.memory_space<hbm>> -> memref<1x256x128xf32, #tpu.memory_space<hbm>>
          %dma_start3A_219 = tpu.memref_squeeze %dma_start3A_218 : memref<1x256x128xf32, #tpu.memory_space<hbm>> -> memref<256x128xf32, #tpu.memory_space<hbm>>
          tpu.enqueue_dma source(%arg10 : memref<256x128xf32, #tpu.memory_space<vmem>>) target(%dma_start3A_219 : memref<256x128xf32, #tpu.memory_space<hbm>>) target_semaphore(%arg16 : memref<!tpu.dma_semaphore, #tpu.memory_space<semaphore_mem>>)
          %while3A_220 = arith.constant 0 : i32
          scf.yield %while3A_220 : i32
        }
        %while3A_209 = arith.constant 1 : i32
        %while3A_210 = scf.for %while3A_211 = %while3A_206 to %while3A_202 step %while3A_209 iter_args(%while3A_212 = %while3A_208) -> (i32)  : i32 {
          %mul3A_213 = arith.constant 256 : i32
          %mul3A_214 = arith.muli %while3A_211, %mul3A_213 : i32
          %dma_start3A = arith.constant 0 : i32
          %dma_start3A_215 = tpu.memref_slice %arg5[%select_n3A_189, %mul3A_214, %dma_start3A] : memref<77x16384x128xf32, #tpu.memory_space<hbm>> -> memref<1x256x128xf32, #tpu.memory_space<hbm>>
          %dma_start3A_216 = tpu.memref_squeeze %dma_start3A_215 : memref<1x256x128xf32, #tpu.memory_space<hbm>> -> memref<256x128xf32, #tpu.memory_space<hbm>>
          %dma_start3A_217 = arith.constant 0 : i32
          %dma_start3A_218 = tpu.memref_slice %arg5[%select_n3A_189, %mul3A_214, %dma_start3A_217] : memref<77x16384x128xf32, #tpu.memory_space<hbm>> -> memref<1x256x128xf32, #tpu.memory_space<hbm>>
          %dma_start3A_219 = tpu.memref_squeeze %dma_start3A_218 : memref<1x256x128xf32, #tpu.memory_space<hbm>> -> memref<256x128xf32, #tpu.memory_space<hbm>>
          tpu.enqueue_dma source(%arg10 : memref<256x128xf32, #tpu.memory_space<vmem>>) target(%dma_start3A_219 : memref<256x128xf32, #tpu.memory_space<hbm>>) target_semaphore(%arg16 : memref<!tpu.dma_semaphore, #tpu.memory_space<semaphore_mem>>)
          %while3A_220 = arith.constant 0 : i32
          scf.yield %while3A_220 : i32
        }
      } else {
      }
      %add3A_77 = arith.constant 1 : i32
      %add3A_78 = arith.addi %select_n3A, %add3A_77 : i32
      %mul3A_79 = arith.constant 8 : i32
      %mul3A_80 = arith.muli %mul3A_79, %add3A_78 : i32
      %max3A_81 = arith.maxsi %mul3A_46, %mul3A_80 : i32
      %mul3A_82 = arith.constant 8 : i32
      %mul3A_83 = arith.muli %mul3A_82, %add3A_78 : i32
      %add3A_84 = arith.constant 8 : i32
      %add3A_85 = arith.addi %mul3A_83, %add3A_84 : i32
      %min3A_86 = arith.minsi %add3A_48, %add3A_85 : i32
      %gt3A_87 = arith.cmpi sgt, %min3A_86, %max3A_81 : i32
      %convert_element_type3A_88 = arith.extui %gt3A_87 : i1 to i32
      %cond3A_89 = arith.constant 0 : i32
      %cond3A_90 = arith.cmpi ne, %convert_element_type3A_88, %cond3A_89 : i32
      scf.if %cond3A_90 {
        %lt3A_185 = arith.constant 5 : i32
        %lt3A_186 = arith.cmpi slt, %add3A_78, %lt3A_185 : i32
        %add3A_187 = arith.constant 4 : i32
        %add3A_188 = arith.addi %add3A_78, %add3A_187 : i32
        %select_n3A_189 = arith.select %lt3A_186, %add3A_78, %add3A_188 : i32
        "tpu.region"() ({
          %run_scoped3A = tpu.sem_alloc : memref<!tpu.dma_semaphore, #tpu.memory_space<semaphore_mem>>
          %dma_start3A = arith.constant 0 : i32
          %dma_start3A_211 = arith.constant 0 : i32
          %dma_start3A_212 = tpu.memref_slice %arg4[%add3A_78, %dma_start3A, %dma_start3A_211] : memref<73x256x128xf32, #tpu.memory_space<hbm>> -> memref<1x256x128xf32, #tpu.memory_space<hbm>>
          %dma_start3A_213 = tpu.memref_squeeze %dma_start3A_212 : memref<1x256x128xf32, #tpu.memory_space<hbm>> -> memref<256x128xf32, #tpu.memory_space<hbm>>
          %dma_start3A_214 = arith.constant 0 : i32
          %dma_start3A_215 = arith.constant 0 : i32
          %dma_start3A_216 = tpu.memref_slice %arg4[%add3A_78, %dma_start3A_214, %dma_start3A_215] : memref<73x256x128xf32, #tpu.memory_space<hbm>> -> memref<1x256x128xf32, #tpu.memory_space<hbm>>
          %dma_start3A_217 = tpu.memref_squeeze %dma_start3A_216 : memref<1x256x128xf32, #tpu.memory_space<hbm>> -> memref<256x128xf32, #tpu.memory_space<hbm>>
          tpu.enqueue_dma source(%dma_start3A_217 : memref<256x128xf32, #tpu.memory_space<hbm>>) target(%arg11 : memref<256x128xf32, #tpu.memory_space<vmem>>) target_semaphore(%run_scoped3A : memref<!tpu.dma_semaphore, #tpu.memory_space<semaphore_mem>>)
          %dma_wait3A_218 = arith.constant 0 : i32
          %dma_wait3A_219 = arith.constant 0 : i32
          %dma_wait3A_220 = tpu.memref_slice %arg4[%add3A_78, %dma_wait3A_218, %dma_wait3A_219] : memref<73x256x128xf32, #tpu.memory_space<hbm>> -> memref<1x256x128xf32, #tpu.memory_space<hbm>>
          %dma_wait3A_221 = tpu.memref_squeeze %dma_wait3A_220 : memref<1x256x128xf32, #tpu.memory_space<hbm>> -> memref<256x128xf32, #tpu.memory_space<hbm>>
          %dma_wait3A_222 = arith.constant 0 : i32
          %dma_wait3A_223 = arith.constant 0 : i32
          %dma_wait3A_224 = tpu.memref_slice %arg4[%add3A_78, %dma_wait3A_222, %dma_wait3A_223] : memref<73x256x128xf32, #tpu.memory_space<hbm>> -> memref<1x256x128xf32, #tpu.memory_space<hbm>>
          %dma_wait3A_225 = tpu.memref_squeeze %dma_wait3A_224 : memref<1x256x128xf32, #tpu.memory_space<hbm>> -> memref<256x128xf32, #tpu.memory_space<hbm>>
          tpu.wait_dma2 semaphore(%run_scoped3A : memref<!tpu.dma_semaphore, #tpu.memory_space<semaphore_mem>>) src(%dma_wait3A_225 : memref<256x128xf32, #tpu.memory_space<hbm>>) dst(%arg11 : memref<256x128xf32, #tpu.memory_space<vmem>>)
          tpu.yield
        }) : () -> ()
        %mul3A_190 = arith.constant 8 : i32
        %mul3A_191 = arith.muli %mul3A_190, %add3A_78 : i32
        %sub3A_192 = arith.subi %max3A_81, %mul3A_191 : i32
        %mul3A_193 = arith.constant 8 : i32
        %mul3A_194 = arith.muli %sub3A_192, %mul3A_193 : i32
        %mul3A_195 = arith.constant 8 : i32
        %mul3A_196 = arith.muli %mul3A_195, %add3A_78 : i32
        %sub3A_197 = arith.subi %min3A_86, %mul3A_196 : i32
        %mul3A_198 = arith.constant 8 : i32
        %mul3A_199 = arith.muli %sub3A_197, %mul3A_198 : i32
        %while3A_200 = arith.constant 0 : i32
        %while3A_201 = arith.subi %mul3A_199, %mul3A_194 : i32
        %while3A_202 = arith.addi %mul3A_194, %while3A_201 : i32
        %while3A_203 = arith.constant 1 : i32
        %while3A_204 = arith.divsi %while3A_201, %while3A_203 : i32
        %while3A_205 = arith.muli %while3A_204, %while3A_203 : i32
        %while3A_206 = arith.addi %mul3A_194, %while3A_205 : i32
        %while3A_207 = arith.constant 1 : i32
        %while3A_208 = scf.for %while3A_211 = %mul3A_194 to %while3A_206 step %while3A_207 iter_args(%while3A_212 = %while3A_200) -> (i32)  : i32 {
          %mul3A_213 = arith.constant 256 : i32
          %mul3A_214 = arith.muli %while3A_211, %mul3A_213 : i32
          %dma_start3A = arith.constant 0 : i32
          %dma_start3A_215 = tpu.memref_slice %arg5[%select_n3A_189, %mul3A_214, %dma_start3A] : memref<77x16384x128xf32, #tpu.memory_space<hbm>> -> memref<1x256x128xf32, #tpu.memory_space<hbm>>
          %dma_start3A_216 = tpu.memref_squeeze %dma_start3A_215 : memref<1x256x128xf32, #tpu.memory_space<hbm>> -> memref<256x128xf32, #tpu.memory_space<hbm>>
          %dma_start3A_217 = arith.constant 0 : i32
          %dma_start3A_218 = tpu.memref_slice %arg5[%select_n3A_189, %mul3A_214, %dma_start3A_217] : memref<77x16384x128xf32, #tpu.memory_space<hbm>> -> memref<1x256x128xf32, #tpu.memory_space<hbm>>
          %dma_start3A_219 = tpu.memref_squeeze %dma_start3A_218 : memref<1x256x128xf32, #tpu.memory_space<hbm>> -> memref<256x128xf32, #tpu.memory_space<hbm>>
          tpu.enqueue_dma source(%arg11 : memref<256x128xf32, #tpu.memory_space<vmem>>) target(%dma_start3A_219 : memref<256x128xf32, #tpu.memory_space<hbm>>) target_semaphore(%arg16 : memref<!tpu.dma_semaphore, #tpu.memory_space<semaphore_mem>>)
          %while3A_220 = arith.constant 0 : i32
          scf.yield %while3A_220 : i32
        }
        %while3A_209 = arith.constant 1 : i32
        %while3A_210 = scf.for %while3A_211 = %while3A_206 to %while3A_202 step %while3A_209 iter_args(%while3A_212 = %while3A_208) -> (i32)  : i32 {
          %mul3A_213 = arith.constant 256 : i32
          %mul3A_214 = arith.muli %while3A_211, %mul3A_213 : i32
          %dma_start3A = arith.constant 0 : i32
          %dma_start3A_215 = tpu.memref_slice %arg5[%select_n3A_189, %mul3A_214, %dma_start3A] : memref<77x16384x128xf32, #tpu.memory_space<hbm>> -> memref<1x256x128xf32, #tpu.memory_space<hbm>>
          %dma_start3A_216 = tpu.memref_squeeze %dma_start3A_215 : memref<1x256x128xf32, #tpu.memory_space<hbm>> -> memref<256x128xf32, #tpu.memory_space<hbm>>
          %dma_start3A_217 = arith.constant 0 : i32
          %dma_start3A_218 = tpu.memref_slice %arg5[%select_n3A_189, %mul3A_214, %dma_start3A_217] : memref<77x16384x128xf32, #tpu.memory_space<hbm>> -> memref<1x256x128xf32, #tpu.memory_space<hbm>>
          %dma_start3A_219 = tpu.memref_squeeze %dma_start3A_218 : memref<1x256x128xf32, #tpu.memory_space<hbm>> -> memref<256x128xf32, #tpu.memory_space<hbm>>
          tpu.enqueue_dma source(%arg11 : memref<256x128xf32, #tpu.memory_space<vmem>>) target(%dma_start3A_219 : memref<256x128xf32, #tpu.memory_space<hbm>>) target_semaphore(%arg16 : memref<!tpu.dma_semaphore, #tpu.memory_space<semaphore_mem>>)
          %while3A_220 = arith.constant 0 : i32
          scf.yield %while3A_220 : i32
        }
      } else {
      }
      %add3A_91 = arith.constant 2 : i32
      %add3A_92 = arith.addi %select_n3A, %add3A_91 : i32
      %mul3A_93 = arith.constant 8 : i32
      %mul3A_94 = arith.muli %mul3A_93, %add3A_92 : i32
      %max3A_95 = arith.maxsi %mul3A_46, %mul3A_94 : i32
      %mul3A_96 = arith.constant 8 : i32
      %mul3A_97 = arith.muli %mul3A_96, %add3A_92 : i32
      %add3A_98 = arith.constant 8 : i32
      %add3A_99 = arith.addi %mul3A_97, %add3A_98 : i32
      %min3A_100 = arith.minsi %add3A_48, %add3A_99 : i32
      %add3A_101 = arith.constant 0 : i32
      %add3A_102 = arith.addi %select_n3A, %add3A_101 : i32
      %mul3A_103 = arith.constant 8 : i32
      %mul3A_104 = arith.muli %mul3A_103, %add3A_102 : i32
      %max3A_105 = arith.maxsi %mul3A_46, %mul3A_104 : i32
      %mul3A_106 = arith.constant 8 : i32
      %mul3A_107 = arith.muli %mul3A_106, %add3A_102 : i32
      %add3A_108 = arith.constant 8 : i32
      %add3A_109 = arith.addi %mul3A_107, %add3A_108 : i32
      %min3A_110 = arith.minsi %add3A_48, %add3A_109 : i32
      %sub3A_111 = arith.subi %min3A_110, %max3A_105 : i32
      %max3A_112 = arith.constant 0 : i32
      %max3A_113 = arith.maxsi %sub3A_111, %max3A_112 : i32
      %mul3A_114 = arith.constant 8 : i32
      %mul3A_115 = arith.muli %max3A_113, %mul3A_114 : i32
      %while3A = arith.constant 0 : i32
      %while3A_116 = arith.constant 0 : i32
      %while3A_117 = arith.subi %mul3A_115, %while3A : i32
      %while3A_118 = arith.addi %while3A, %while3A_117 : i32
      %while3A_119 = arith.constant 1 : i32
      %while3A_120 = arith.divsi %while3A_117, %while3A_119 : i32
      %while3A_121 = arith.muli %while3A_120, %while3A_119 : i32
      %while3A_122 = arith.addi %while3A, %while3A_121 : i32
      %while3A_123 = arith.constant 1 : i32
      %while3A_124 = scf.for %while3A_185 = %while3A to %while3A_122 step %while3A_123 iter_args(%while3A_186 = %while3A_116) -> (i32)  : i32 {
        %dma_wait3A_187 = arith.constant 0 : i32
        %dma_wait3A_188 = arith.constant 0 : i32
        %dma_wait3A_189 = arith.constant 0 : i32
        %dma_wait3A_190 = tpu.memref_slice %arg5[%dma_wait3A_187, %dma_wait3A_188, %dma_wait3A_189] : memref<77x16384x128xf32, #tpu.memory_space<hbm>> -> memref<1x256x128xf32, #tpu.memory_space<hbm>>
        %dma_wait3A_191 = tpu.memref_squeeze %dma_wait3A_190 : memref<1x256x128xf32, #tpu.memory_space<hbm>> -> memref<256x128xf32, #tpu.memory_space<hbm>>
        %dma_wait3A_192 = arith.constant 0 : i32
        %dma_wait3A_193 = arith.constant 0 : i32
        %dma_wait3A_194 = tpu.memref_slice %arg5[%dma_wait3A_187, %dma_wait3A_192, %dma_wait3A_193] : memref<77x16384x128xf32, #tpu.memory_space<hbm>> -> memref<1x256x128xf32, #tpu.memory_space<hbm>>
        %dma_wait3A_195 = tpu.memref_squeeze %dma_wait3A_194 : memref<1x256x128xf32, #tpu.memory_space<hbm>> -> memref<256x128xf32, #tpu.memory_space<hbm>>
        tpu.wait_dma2 semaphore(%arg16 : memref<!tpu.dma_semaphore, #tpu.memory_space<semaphore_mem>>) src(%arg10 : memref<256x128xf32, #tpu.memory_space<vmem>>) dst(%dma_wait3A_195 : memref<256x128xf32, #tpu.memory_space<hbm>>)
        %while3A_196 = arith.constant 0 : i32
        scf.yield %while3A_196 : i32
      }
      %while3A_125 = arith.constant 1 : i32
      %while3A_126 = scf.for %while3A_185 = %while3A_122 to %while3A_118 step %while3A_125 iter_args(%while3A_186 = %while3A_124) -> (i32)  : i32 {
        %dma_wait3A_187 = arith.constant 0 : i32
        %dma_wait3A_188 = arith.constant 0 : i32
        %dma_wait3A_189 = arith.constant 0 : i32
        %dma_wait3A_190 = tpu.memref_slice %arg5[%dma_wait3A_187, %dma_wait3A_188, %dma_wait3A_189] : memref<77x16384x128xf32, #tpu.memory_space<hbm>> -> memref<1x256x128xf32, #tpu.memory_space<hbm>>
        %dma_wait3A_191 = tpu.memref_squeeze %dma_wait3A_190 : memref<1x256x128xf32, #tpu.memory_space<hbm>> -> memref<256x128xf32, #tpu.memory_space<hbm>>
        %dma_wait3A_192 = arith.constant 0 : i32
        %dma_wait3A_193 = arith.constant 0 : i32
        %dma_wait3A_194 = tpu.memref_slice %arg5[%dma_wait3A_187, %dma_wait3A_192, %dma_wait3A_193] : memref<77x16384x128xf32, #tpu.memory_space<hbm>> -> memref<1x256x128xf32, #tpu.memory_space<hbm>>
        %dma_wait3A_195 = tpu.memref_squeeze %dma_wait3A_194 : memref<1x256x128xf32, #tpu.memory_space<hbm>> -> memref<256x128xf32, #tpu.memory_space<hbm>>
        tpu.wait_dma2 semaphore(%arg16 : memref<!tpu.dma_semaphore, #tpu.memory_space<semaphore_mem>>) src(%arg10 : memref<256x128xf32, #tpu.memory_space<vmem>>) dst(%dma_wait3A_195 : memref<256x128xf32, #tpu.memory_space<hbm>>)
        %while3A_196 = arith.constant 0 : i32
        scf.yield %while3A_196 : i32
      }
      %gt3A_127 = arith.cmpi sgt, %min3A_100, %max3A_95 : i32
      %convert_element_type3A_128 = arith.extui %gt3A_127 : i1 to i32
      %cond3A_129 = arith.constant 0 : i32
      %cond3A_130 = arith.cmpi ne, %convert_element_type3A_128, %cond3A_129 : i32
      scf.if %cond3A_130 {
        %lt3A_185 = arith.constant 5 : i32
        %lt3A_186 = arith.cmpi slt, %add3A_92, %lt3A_185 : i32
        %add3A_187 = arith.constant 4 : i32
        %add3A_188 = arith.addi %add3A_92, %add3A_187 : i32
        %select_n3A_189 = arith.select %lt3A_186, %add3A_92, %add3A_188 : i32
        "tpu.region"() ({
          %run_scoped3A = tpu.sem_alloc : memref<!tpu.dma_semaphore, #tpu.memory_space<semaphore_mem>>
          %dma_start3A = arith.constant 0 : i32
          %dma_start3A_211 = arith.constant 0 : i32
          %dma_start3A_212 = tpu.memref_slice %arg4[%add3A_92, %dma_start3A, %dma_start3A_211] : memref<73x256x128xf32, #tpu.memory_space<hbm>> -> memref<1x256x128xf32, #tpu.memory_space<hbm>>
          %dma_start3A_213 = tpu.memref_squeeze %dma_start3A_212 : memref<1x256x128xf32, #tpu.memory_space<hbm>> -> memref<256x128xf32, #tpu.memory_space<hbm>>
          %dma_start3A_214 = arith.constant 0 : i32
          %dma_start3A_215 = arith.constant 0 : i32
          %dma_start3A_216 = tpu.memref_slice %arg4[%add3A_92, %dma_start3A_214, %dma_start3A_215] : memref<73x256x128xf32, #tpu.memory_space<hbm>> -> memref<1x256x128xf32, #tpu.memory_space<hbm>>
          %dma_start3A_217 = tpu.memref_squeeze %dma_start3A_216 : memref<1x256x128xf32, #tpu.memory_space<hbm>> -> memref<256x128xf32, #tpu.memory_space<hbm>>
          tpu.enqueue_dma source(%dma_start3A_217 : memref<256x128xf32, #tpu.memory_space<hbm>>) target(%arg10 : memref<256x128xf32, #tpu.memory_space<vmem>>) target_semaphore(%run_scoped3A : memref<!tpu.dma_semaphore, #tpu.memory_space<semaphore_mem>>)
          %dma_wait3A_218 = arith.constant 0 : i32
          %dma_wait3A_219 = arith.constant 0 : i32
          %dma_wait3A_220 = tpu.memref_slice %arg4[%add3A_92, %dma_wait3A_218, %dma_wait3A_219] : memref<73x256x128xf32, #tpu.memory_space<hbm>> -> memref<1x256x128xf32, #tpu.memory_space<hbm>>
          %dma_wait3A_221 = tpu.memref_squeeze %dma_wait3A_220 : memref<1x256x128xf32, #tpu.memory_space<hbm>> -> memref<256x128xf32, #tpu.memory_space<hbm>>
          %dma_wait3A_222 = arith.constant 0 : i32
          %dma_wait3A_223 = arith.constant 0 : i32
          %dma_wait3A_224 = tpu.memref_slice %arg4[%add3A_92, %dma_wait3A_222, %dma_wait3A_223] : memref<73x256x128xf32, #tpu.memory_space<hbm>> -> memref<1x256x128xf32, #tpu.memory_space<hbm>>
          %dma_wait3A_225 = tpu.memref_squeeze %dma_wait3A_224 : memref<1x256x128xf32, #tpu.memory_space<hbm>> -> memref<256x128xf32, #tpu.memory_space<hbm>>
          tpu.wait_dma2 semaphore(%run_scoped3A : memref<!tpu.dma_semaphore, #tpu.memory_space<semaphore_mem>>) src(%dma_wait3A_225 : memref<256x128xf32, #tpu.memory_space<hbm>>) dst(%arg10 : memref<256x128xf32, #tpu.memory_space<vmem>>)
          tpu.yield
        }) : () -> ()
        %mul3A_190 = arith.constant 8 : i32
        %mul3A_191 = arith.muli %mul3A_190, %add3A_92 : i32
        %sub3A_192 = arith.subi %max3A_95, %mul3A_191 : i32
        %mul3A_193 = arith.constant 8 : i32
        %mul3A_194 = arith.muli %sub3A_192, %mul3A_193 : i32
        %mul3A_195 = arith.constant 8 : i32
        %mul3A_196 = arith.muli %mul3A_195, %add3A_92 : i32
        %sub3A_197 = arith.subi %min3A_100, %mul3A_196 : i32
        %mul3A_198 = arith.constant 8 : i32
        %mul3A_199 = arith.muli %sub3A_197, %mul3A_198 : i32
        %while3A_200 = arith.constant 0 : i32
        %while3A_201 = arith.subi %mul3A_199, %mul3A_194 : i32
        %while3A_202 = arith.addi %mul3A_194, %while3A_201 : i32
        %while3A_203 = arith.constant 1 : i32
        %while3A_204 = arith.divsi %while3A_201, %while3A_203 : i32
        %while3A_205 = arith.muli %while3A_204, %while3A_203 : i32
        %while3A_206 = arith.addi %mul3A_194, %while3A_205 : i32
        %while3A_207 = arith.constant 1 : i32
        %while3A_208 = scf.for %while3A_211 = %mul3A_194 to %while3A_206 step %while3A_207 iter_args(%while3A_212 = %while3A_200) -> (i32)  : i32 {
          %mul3A_213 = arith.constant 256 : i32
          %mul3A_214 = arith.muli %while3A_211, %mul3A_213 : i32
          %dma_start3A = arith.constant 0 : i32
          %dma_start3A_215 = tpu.memref_slice %arg5[%select_n3A_189, %mul3A_214, %dma_start3A] : memref<77x16384x128xf32, #tpu.memory_space<hbm>> -> memref<1x256x128xf32, #tpu.memory_space<hbm>>
          %dma_start3A_216 = tpu.memref_squeeze %dma_start3A_215 : memref<1x256x128xf32, #tpu.memory_space<hbm>> -> memref<256x128xf32, #tpu.memory_space<hbm>>
          %dma_start3A_217 = arith.constant 0 : i32
          %dma_start3A_218 = tpu.memref_slice %arg5[%select_n3A_189, %mul3A_214, %dma_start3A_217] : memref<77x16384x128xf32, #tpu.memory_space<hbm>> -> memref<1x256x128xf32, #tpu.memory_space<hbm>>
          %dma_start3A_219 = tpu.memref_squeeze %dma_start3A_218 : memref<1x256x128xf32, #tpu.memory_space<hbm>> -> memref<256x128xf32, #tpu.memory_space<hbm>>
          tpu.enqueue_dma source(%arg10 : memref<256x128xf32, #tpu.memory_space<vmem>>) target(%dma_start3A_219 : memref<256x128xf32, #tpu.memory_space<hbm>>) target_semaphore(%arg16 : memref<!tpu.dma_semaphore, #tpu.memory_space<semaphore_mem>>)
          %while3A_220 = arith.constant 0 : i32
          scf.yield %while3A_220 : i32
        }
        %while3A_209 = arith.constant 1 : i32
        %while3A_210 = scf.for %while3A_211 = %while3A_206 to %while3A_202 step %while3A_209 iter_args(%while3A_212 = %while3A_208) -> (i32)  : i32 {
          %mul3A_213 = arith.constant 256 : i32
          %mul3A_214 = arith.muli %while3A_211, %mul3A_213 : i32
          %dma_start3A = arith.constant 0 : i32
          %dma_start3A_215 = tpu.memref_slice %arg5[%select_n3A_189, %mul3A_214, %dma_start3A] : memref<77x16384x128xf32, #tpu.memory_space<hbm>> -> memref<1x256x128xf32, #tpu.memory_space<hbm>>
          %dma_start3A_216 = tpu.memref_squeeze %dma_start3A_215 : memref<1x256x128xf32, #tpu.memory_space<hbm>> -> memref<256x128xf32, #tpu.memory_space<hbm>>
          %dma_start3A_217 = arith.constant 0 : i32
          %dma_start3A_218 = tpu.memref_slice %arg5[%select_n3A_189, %mul3A_214, %dma_start3A_217] : memref<77x16384x128xf32, #tpu.memory_space<hbm>> -> memref<1x256x128xf32, #tpu.memory_space<hbm>>
          %dma_start3A_219 = tpu.memref_squeeze %dma_start3A_218 : memref<1x256x128xf32, #tpu.memory_space<hbm>> -> memref<256x128xf32, #tpu.memory_space<hbm>>
          tpu.enqueue_dma source(%arg10 : memref<256x128xf32, #tpu.memory_space<vmem>>) target(%dma_start3A_219 : memref<256x128xf32, #tpu.memory_space<hbm>>) target_semaphore(%arg16 : memref<!tpu.dma_semaphore, #tpu.memory_space<semaphore_mem>>)
          %while3A_220 = arith.constant 0 : i32
          scf.yield %while3A_220 : i32
        }
      } else {
      }
      %add3A_131 = arith.constant 1 : i32
      %add3A_132 = arith.addi %select_n3A, %add3A_131 : i32
      %mul3A_133 = arith.constant 8 : i32
      %mul3A_134 = arith.muli %mul3A_133, %add3A_132 : i32
      %max3A_135 = arith.maxsi %mul3A_46, %mul3A_134 : i32
      %mul3A_136 = arith.constant 8 : i32
      %mul3A_137 = arith.muli %mul3A_136, %add3A_132 : i32
      %add3A_138 = arith.constant 8 : i32
      %add3A_139 = arith.addi %mul3A_137, %add3A_138 : i32
      %min3A_140 = arith.minsi %add3A_48, %add3A_139 : i32
      %sub3A_141 = arith.subi %min3A_140, %max3A_135 : i32
      %max3A_142 = arith.constant 0 : i32
      %max3A_143 = arith.maxsi %sub3A_141, %max3A_142 : i32
      %mul3A_144 = arith.constant 8 : i32
      %mul3A_145 = arith.muli %max3A_143, %mul3A_144 : i32
      %while3A_146 = arith.constant 0 : i32
      %while3A_147 = arith.constant 0 : i32
      %while3A_148 = arith.subi %mul3A_145, %while3A_146 : i32
      %while3A_149 = arith.addi %while3A_146, %while3A_148 : i32
      %while3A_150 = arith.constant 1 : i32
      %while3A_151 = arith.divsi %while3A_148, %while3A_150 : i32
      %while3A_152 = arith.muli %while3A_151, %while3A_150 : i32
      %while3A_153 = arith.addi %while3A_146, %while3A_152 : i32
      %while3A_154 = arith.constant 1 : i32
      %while3A_155 = scf.for %while3A_185 = %while3A_146 to %while3A_153 step %while3A_154 iter_args(%while3A_186 = %while3A_147) -> (i32)  : i32 {
        %dma_wait3A_187 = arith.constant 0 : i32
        %dma_wait3A_188 = arith.constant 0 : i32
        %dma_wait3A_189 = arith.constant 0 : i32
        %dma_wait3A_190 = tpu.memref_slice %arg5[%dma_wait3A_187, %dma_wait3A_188, %dma_wait3A_189] : memref<77x16384x128xf32, #tpu.memory_space<hbm>> -> memref<1x256x128xf32, #tpu.memory_space<hbm>>
        %dma_wait3A_191 = tpu.memref_squeeze %dma_wait3A_190 : memref<1x256x128xf32, #tpu.memory_space<hbm>> -> memref<256x128xf32, #tpu.memory_space<hbm>>
        %dma_wait3A_192 = arith.constant 0 : i32
        %dma_wait3A_193 = arith.constant 0 : i32
        %dma_wait3A_194 = tpu.memref_slice %arg5[%dma_wait3A_187, %dma_wait3A_192, %dma_wait3A_193] : memref<77x16384x128xf32, #tpu.memory_space<hbm>> -> memref<1x256x128xf32, #tpu.memory_space<hbm>>
        %dma_wait3A_195 = tpu.memref_squeeze %dma_wait3A_194 : memref<1x256x128xf32, #tpu.memory_space<hbm>> -> memref<256x128xf32, #tpu.memory_space<hbm>>
        tpu.wait_dma2 semaphore(%arg16 : memref<!tpu.dma_semaphore, #tpu.memory_space<semaphore_mem>>) src(%arg11 : memref<256x128xf32, #tpu.memory_space<vmem>>) dst(%dma_wait3A_195 : memref<256x128xf32, #tpu.memory_space<hbm>>)
        %while3A_196 = arith.constant 0 : i32
        scf.yield %while3A_196 : i32
      }
      %while3A_156 = arith.constant 1 : i32
      %while3A_157 = scf.for %while3A_185 = %while3A_153 to %while3A_149 step %while3A_156 iter_args(%while3A_186 = %while3A_155) -> (i32)  : i32 {
        %dma_wait3A_187 = arith.constant 0 : i32
        %dma_wait3A_188 = arith.constant 0 : i32
        %dma_wait3A_189 = arith.constant 0 : i32
        %dma_wait3A_190 = tpu.memref_slice %arg5[%dma_wait3A_187, %dma_wait3A_188, %dma_wait3A_189] : memref<77x16384x128xf32, #tpu.memory_space<hbm>> -> memref<1x256x128xf32, #tpu.memory_space<hbm>>
        %dma_wait3A_191 = tpu.memref_squeeze %dma_wait3A_190 : memref<1x256x128xf32, #tpu.memory_space<hbm>> -> memref<256x128xf32, #tpu.memory_space<hbm>>
        %dma_wait3A_192 = arith.constant 0 : i32
        %dma_wait3A_193 = arith.constant 0 : i32
        %dma_wait3A_194 = tpu.memref_slice %arg5[%dma_wait3A_187, %dma_wait3A_192, %dma_wait3A_193] : memref<77x16384x128xf32, #tpu.memory_space<hbm>> -> memref<1x256x128xf32, #tpu.memory_space<hbm>>
        %dma_wait3A_195 = tpu.memref_squeeze %dma_wait3A_194 : memref<1x256x128xf32, #tpu.memory_space<hbm>> -> memref<256x128xf32, #tpu.memory_space<hbm>>
        tpu.wait_dma2 semaphore(%arg16 : memref<!tpu.dma_semaphore, #tpu.memory_space<semaphore_mem>>) src(%arg11 : memref<256x128xf32, #tpu.memory_space<vmem>>) dst(%dma_wait3A_195 : memref<256x128xf32, #tpu.memory_space<hbm>>)
        %while3A_196 = arith.constant 0 : i32
        scf.yield %while3A_196 : i32
      }
      %add3A_158 = arith.constant 2 : i32
      %add3A_159 = arith.addi %select_n3A, %add3A_158 : i32
      %mul3A_160 = arith.constant 8 : i32
      %mul3A_161 = arith.muli %mul3A_160, %add3A_159 : i32
      %max3A_162 = arith.maxsi %mul3A_46, %mul3A_161 : i32
      %mul3A_163 = arith.constant 8 : i32
      %mul3A_164 = arith.muli %mul3A_163, %add3A_159 : i32
      %add3A_165 = arith.constant 8 : i32
      %add3A_166 = arith.addi %mul3A_164, %add3A_165 : i32
      %min3A_167 = arith.minsi %add3A_48, %add3A_166 : i32
      %sub3A_168 = arith.subi %min3A_167, %max3A_162 : i32
      %max3A_169 = arith.constant 0 : i32
      %max3A_170 = arith.maxsi %sub3A_168, %max3A_169 : i32
      %mul3A_171 = arith.constant 8 : i32
      %mul3A_172 = arith.muli %max3A_170, %mul3A_171 : i32
      %while3A_173 = arith.constant 0 : i32
      %while3A_174 = arith.constant 0 : i32
      %while3A_175 = arith.subi %mul3A_172, %while3A_173 : i32
      %while3A_176 = arith.addi %while3A_173, %while3A_175 : i32
      %while3A_177 = arith.constant 1 : i32
      %while3A_178 = arith.divsi %while3A_175, %while3A_177 : i32
      %while3A_179 = arith.muli %while3A_178, %while3A_177 : i32
      %while3A_180 = arith.addi %while3A_173, %while3A_179 : i32
      %while3A_181 = arith.constant 1 : i32
      %while3A_182 = scf.for %while3A_185 = %while3A_173 to %while3A_180 step %while3A_181 iter_args(%while3A_186 = %while3A_174) -> (i32)  : i32 {
        %dma_wait3A_187 = arith.constant 0 : i32
        %dma_wait3A_188 = arith.constant 0 : i32
        %dma_wait3A_189 = arith.constant 0 : i32
        %dma_wait3A_190 = tpu.memref_slice %arg5[%dma_wait3A_187, %dma_wait3A_188, %dma_wait3A_189] : memref<77x16384x128xf32, #tpu.memory_space<hbm>> -> memref<1x256x128xf32, #tpu.memory_space<hbm>>
        %dma_wait3A_191 = tpu.memref_squeeze %dma_wait3A_190 : memref<1x256x128xf32, #tpu.memory_space<hbm>> -> memref<256x128xf32, #tpu.memory_space<hbm>>
        %dma_wait3A_192 = arith.constant 0 : i32
        %dma_wait3A_193 = arith.constant 0 : i32
        %dma_wait3A_194 = tpu.memref_slice %arg5[%dma_wait3A_187, %dma_wait3A_192, %dma_wait3A_193] : memref<77x16384x128xf32, #tpu.memory_space<hbm>> -> memref<1x256x128xf32, #tpu.memory_space<hbm>>
        %dma_wait3A_195 = tpu.memref_squeeze %dma_wait3A_194 : memref<1x256x128xf32, #tpu.memory_space<hbm>> -> memref<256x128xf32, #tpu.memory_space<hbm>>
        tpu.wait_dma2 semaphore(%arg16 : memref<!tpu.dma_semaphore, #tpu.memory_space<semaphore_mem>>) src(%arg10 : memref<256x128xf32, #tpu.memory_space<vmem>>) dst(%dma_wait3A_195 : memref<256x128xf32, #tpu.memory_space<hbm>>)
        %while3A_196 = arith.constant 0 : i32
        scf.yield %while3A_196 : i32
      }
      %while3A_183 = arith.constant 1 : i32
      %while3A_184 = scf.for %while3A_185 = %while3A_180 to %while3A_176 step %while3A_183 iter_args(%while3A_186 = %while3A_182) -> (i32)  : i32 {
        %dma_wait3A_187 = arith.constant 0 : i32
        %dma_wait3A_188 = arith.constant 0 : i32
        %dma_wait3A_189 = arith.constant 0 : i32
        %dma_wait3A_190 = tpu.memref_slice %arg5[%dma_wait3A_187, %dma_wait3A_188, %dma_wait3A_189] : memref<77x16384x128xf32, #tpu.memory_space<hbm>> -> memref<1x256x128xf32, #tpu.memory_space<hbm>>
        %dma_wait3A_191 = tpu.memref_squeeze %dma_wait3A_190 : memref<1x256x128xf32, #tpu.memory_space<hbm>> -> memref<256x128xf32, #tpu.memory_space<hbm>>
        %dma_wait3A_192 = arith.constant 0 : i32
        %dma_wait3A_193 = arith.constant 0 : i32
        %dma_wait3A_194 = tpu.memref_slice %arg5[%dma_wait3A_187, %dma_wait3A_192, %dma_wait3A_193] : memref<77x16384x128xf32, #tpu.memory_space<hbm>> -> memref<1x256x128xf32, #tpu.memory_space<hbm>>
        %dma_wait3A_195 = tpu.memref_squeeze %dma_wait3A_194 : memref<1x256x128xf32, #tpu.memory_space<hbm>> -> memref<256x128xf32, #tpu.memory_space<hbm>>
        tpu.wait_dma2 semaphore(%arg16 : memref<!tpu.dma_semaphore, #tpu.memory_space<semaphore_mem>>) src(%arg10 : memref<256x128xf32, #tpu.memory_space<vmem>>) dst(%dma_wait3A_195 : memref<256x128xf32, #tpu.memory_space<hbm>>)
        %while3A_196 = arith.constant 0 : i32
        scf.yield %while3A_196 : i32
      }
    } else {
    }
    %ge3A = arith.constant 8 : i32
    %ge3A_3 = arith.cmpi sge, %add3A, %ge3A : i32
    %convert_element_type3A_4 = arith.extui %ge3A_3 : i1 to i32
    %cond3A_5 = arith.constant 0 : i32
    %cond3A_6 = arith.cmpi ne, %convert_element_type3A_4, %cond3A_5 : i32
    scf.if %cond3A_6 {
      %sub3A = arith.constant 8 : i32
      %sub3A_7 = arith.subi %add3A, %sub3A : i32
      %lt3A_8 = arith.constant 16 : i32
      %lt3A_9 = arith.cmpi slt, %sub3A_7, %lt3A_8 : i32
      %jit3A = arith.constant 1 : i32
      %jit3A_10 = arith.constant 0 : i32
      %select_n3A = arith.select %lt3A_9, %jit3A, %jit3A_10 : i32
      %add3A_11 = arith.constant 20 : i32
      %add3A_12 = arith.addi %add3A_11, %select_n3A : i32
      %mul3A_13 = arith.constant 20 : i32
      %mul3A_14 = arith.muli %sub3A_7, %mul3A_13 : i32
      %add3A_15 = arith.constant 88 : i32
      %add3A_16 = arith.addi %add3A_15, %mul3A_14 : i32
      %min3A = arith.constant 16 : i32
      %min3A_17 = arith.minsi %sub3A_7, %min3A : i32
      %add3A_18 = arith.addi %add3A_16, %min3A_17 : i32
      %add3A_19 = arith.addi %add3A_18, %add3A_12 : i32
      %jit3A_20 = arith.constant 8 : i32
      %div3A = arith.divsi %add3A_18, %jit3A_20 : i32
      %sign3A = arith.constant 0 : i32
      %sign3A_21 = arith.cmpi sgt, %add3A_18, %sign3A : i32
      %sign3A_22 = arith.extui %sign3A_21 : i1 to i32
      %sign3A_23 = arith.constant 0 : i32
      %sign3A_24 = arith.cmpi slt, %add3A_18, %sign3A_23 : i32
      %sign3A_25 = arith.extui %sign3A_24 : i1 to i32
      %sign3A_26 = arith.subi %sign3A_22, %sign3A_25 : i32
      %sign3A_27 = arith.constant 0 : i32
      %sign3A_28 = arith.cmpi sgt, %jit3A_20, %sign3A_27 : i32
      %sign3A_29 = arith.extui %sign3A_28 : i1 to i32
      %sign3A_30 = arith.constant 0 : i32
      %sign3A_31 = arith.cmpi slt, %jit3A_20, %sign3A_30 : i32
      %sign3A_32 = arith.extui %sign3A_31 : i1 to i32
      %sign3A_33 = arith.subi %sign3A_29, %sign3A_32 : i32
      %ne3A = arith.cmpi ne, %sign3A_26, %sign3A_33 : i32
      %rem3A = arith.remsi %add3A_18, %jit3A_20 : i32
      %ne3A_34 = arith.constant 0 : i32
      %ne3A_35 = arith.cmpi ne, %rem3A, %ne3A_34 : i32
      %and3A = arith.andi %ne3A, %ne3A_35 : i1
      %sub3A_36 = arith.constant 1 : i32
      %sub3A_37 = arith.subi %div3A, %sub3A_36 : i32
      %select_n3A_38 = arith.select %and3A, %sub3A_37, %div3A : i32
      %add3A_39 = arith.constant 0 : i32
      %add3A_40 = arith.addi %select_n3A_38, %add3A_39 : i32
      %mul3A_41 = arith.constant 8 : i32
      %mul3A_42 = arith.muli %mul3A_41, %add3A_40 : i32
      %max3A = arith.maxsi %add3A_18, %mul3A_42 : i32
      %mul3A_43 = arith.constant 8 : i32
      %mul3A_44 = arith.muli %mul3A_43, %add3A_40 : i32
      %add3A_45 = arith.constant 8 : i32
      %add3A_46 = arith.addi %mul3A_44, %add3A_45 : i32
      %min3A_47 = arith.minsi %add3A_19, %add3A_46 : i32
      %gt3A = arith.cmpi sgt, %min3A_47, %max3A : i32
      %convert_element_type3A_48 = arith.extui %gt3A : i1 to i32
      %cond3A_49 = arith.constant 0 : i32
      %cond3A_50 = arith.cmpi ne, %convert_element_type3A_48, %cond3A_49 : i32
      scf.if %cond3A_50 {
        %lt3A_200 = arith.constant 5 : i32
        %lt3A_201 = arith.cmpi slt, %add3A_40, %lt3A_200 : i32
        %add3A_202 = arith.constant 4 : i32
        %add3A_203 = arith.addi %add3A_40, %add3A_202 : i32
        %select_n3A_204 = arith.select %lt3A_201, %add3A_40, %add3A_203 : i32
        "tpu.region"() ({
          %run_scoped3A = tpu.sem_alloc : memref<!tpu.dma_semaphore, #tpu.memory_space<semaphore_mem>>
          %dma_start3A = arith.constant 0 : i32
          %dma_start3A_226 = arith.constant 0 : i32
          %dma_start3A_227 = tpu.memref_slice %arg4[%add3A_40, %dma_start3A, %dma_start3A_226] : memref<73x256x128xf32, #tpu.memory_space<hbm>> -> memref<1x256x128xf32, #tpu.memory_space<hbm>>
          %dma_start3A_228 = tpu.memref_squeeze %dma_start3A_227 : memref<1x256x128xf32, #tpu.memory_space<hbm>> -> memref<256x128xf32, #tpu.memory_space<hbm>>
          %dma_start3A_229 = arith.constant 0 : i32
          %dma_start3A_230 = arith.constant 0 : i32
          %dma_start3A_231 = tpu.memref_slice %arg4[%add3A_40, %dma_start3A_229, %dma_start3A_230] : memref<73x256x128xf32, #tpu.memory_space<hbm>> -> memref<1x256x128xf32, #tpu.memory_space<hbm>>
          %dma_start3A_232 = tpu.memref_squeeze %dma_start3A_231 : memref<1x256x128xf32, #tpu.memory_space<hbm>> -> memref<256x128xf32, #tpu.memory_space<hbm>>
          tpu.enqueue_dma source(%dma_start3A_232 : memref<256x128xf32, #tpu.memory_space<hbm>>) target(%arg10 : memref<256x128xf32, #tpu.memory_space<vmem>>) target_semaphore(%run_scoped3A : memref<!tpu.dma_semaphore, #tpu.memory_space<semaphore_mem>>)
          %dma_wait3A = arith.constant 0 : i32
          %dma_wait3A_233 = arith.constant 0 : i32
          %dma_wait3A_234 = tpu.memref_slice %arg4[%add3A_40, %dma_wait3A, %dma_wait3A_233] : memref<73x256x128xf32, #tpu.memory_space<hbm>> -> memref<1x256x128xf32, #tpu.memory_space<hbm>>
          %dma_wait3A_235 = tpu.memref_squeeze %dma_wait3A_234 : memref<1x256x128xf32, #tpu.memory_space<hbm>> -> memref<256x128xf32, #tpu.memory_space<hbm>>
          %dma_wait3A_236 = arith.constant 0 : i32
          %dma_wait3A_237 = arith.constant 0 : i32
          %dma_wait3A_238 = tpu.memref_slice %arg4[%add3A_40, %dma_wait3A_236, %dma_wait3A_237] : memref<73x256x128xf32, #tpu.memory_space<hbm>> -> memref<1x256x128xf32, #tpu.memory_space<hbm>>
          %dma_wait3A_239 = tpu.memref_squeeze %dma_wait3A_238 : memref<1x256x128xf32, #tpu.memory_space<hbm>> -> memref<256x128xf32, #tpu.memory_space<hbm>>
          tpu.wait_dma2 semaphore(%run_scoped3A : memref<!tpu.dma_semaphore, #tpu.memory_space<semaphore_mem>>) src(%dma_wait3A_239 : memref<256x128xf32, #tpu.memory_space<hbm>>) dst(%arg10 : memref<256x128xf32, #tpu.memory_space<vmem>>)
          tpu.yield
        }) : () -> ()
        %mul3A_205 = arith.constant 8 : i32
        %mul3A_206 = arith.muli %mul3A_205, %add3A_40 : i32
        %sub3A_207 = arith.subi %max3A, %mul3A_206 : i32
        %mul3A_208 = arith.constant 8 : i32
        %mul3A_209 = arith.muli %sub3A_207, %mul3A_208 : i32
        %mul3A_210 = arith.constant 8 : i32
        %mul3A_211 = arith.muli %mul3A_210, %add3A_40 : i32
        %sub3A_212 = arith.subi %min3A_47, %mul3A_211 : i32
        %mul3A_213 = arith.constant 8 : i32
        %mul3A_214 = arith.muli %sub3A_212, %mul3A_213 : i32
        %while3A_215 = arith.constant 0 : i32
        %while3A_216 = arith.subi %mul3A_214, %mul3A_209 : i32
        %while3A_217 = arith.addi %mul3A_209, %while3A_216 : i32
        %while3A_218 = arith.constant 1 : i32
        %while3A_219 = arith.divsi %while3A_216, %while3A_218 : i32
        %while3A_220 = arith.muli %while3A_219, %while3A_218 : i32
        %while3A_221 = arith.addi %mul3A_209, %while3A_220 : i32
        %while3A_222 = arith.constant 1 : i32
        %while3A_223 = scf.for %while3A_226 = %mul3A_209 to %while3A_221 step %while3A_222 iter_args(%while3A_227 = %while3A_215) -> (i32)  : i32 {
          %mul3A_228 = arith.constant 256 : i32
          %mul3A_229 = arith.muli %while3A_226, %mul3A_228 : i32
          %dma_start3A = arith.constant 0 : i32
          %dma_start3A_230 = tpu.memref_slice %arg5[%select_n3A_204, %mul3A_229, %dma_start3A] : memref<77x16384x128xf32, #tpu.memory_space<hbm>> -> memref<1x256x128xf32, #tpu.memory_space<hbm>>
          %dma_start3A_231 = tpu.memref_squeeze %dma_start3A_230 : memref<1x256x128xf32, #tpu.memory_space<hbm>> -> memref<256x128xf32, #tpu.memory_space<hbm>>
          %dma_start3A_232 = arith.constant 0 : i32
          %dma_start3A_233 = tpu.memref_slice %arg5[%select_n3A_204, %mul3A_229, %dma_start3A_232] : memref<77x16384x128xf32, #tpu.memory_space<hbm>> -> memref<1x256x128xf32, #tpu.memory_space<hbm>>
          %dma_start3A_234 = tpu.memref_squeeze %dma_start3A_233 : memref<1x256x128xf32, #tpu.memory_space<hbm>> -> memref<256x128xf32, #tpu.memory_space<hbm>>
          tpu.enqueue_dma source(%arg10 : memref<256x128xf32, #tpu.memory_space<vmem>>) target(%dma_start3A_234 : memref<256x128xf32, #tpu.memory_space<hbm>>) target_semaphore(%arg16 : memref<!tpu.dma_semaphore, #tpu.memory_space<semaphore_mem>>)
          %while3A_235 = arith.constant 0 : i32
          scf.yield %while3A_235 : i32
        }
        %while3A_224 = arith.constant 1 : i32
        %while3A_225 = scf.for %while3A_226 = %while3A_221 to %while3A_217 step %while3A_224 iter_args(%while3A_227 = %while3A_223) -> (i32)  : i32 {
          %mul3A_228 = arith.constant 256 : i32
          %mul3A_229 = arith.muli %while3A_226, %mul3A_228 : i32
          %dma_start3A = arith.constant 0 : i32
          %dma_start3A_230 = tpu.memref_slice %arg5[%select_n3A_204, %mul3A_229, %dma_start3A] : memref<77x16384x128xf32, #tpu.memory_space<hbm>> -> memref<1x256x128xf32, #tpu.memory_space<hbm>>
          %dma_start3A_231 = tpu.memref_squeeze %dma_start3A_230 : memref<1x256x128xf32, #tpu.memory_space<hbm>> -> memref<256x128xf32, #tpu.memory_space<hbm>>
          %dma_start3A_232 = arith.constant 0 : i32
          %dma_start3A_233 = tpu.memref_slice %arg5[%select_n3A_204, %mul3A_229, %dma_start3A_232] : memref<77x16384x128xf32, #tpu.memory_space<hbm>> -> memref<1x256x128xf32, #tpu.memory_space<hbm>>
          %dma_start3A_234 = tpu.memref_squeeze %dma_start3A_233 : memref<1x256x128xf32, #tpu.memory_space<hbm>> -> memref<256x128xf32, #tpu.memory_space<hbm>>
          tpu.enqueue_dma source(%arg10 : memref<256x128xf32, #tpu.memory_space<vmem>>) target(%dma_start3A_234 : memref<256x128xf32, #tpu.memory_space<hbm>>) target_semaphore(%arg16 : memref<!tpu.dma_semaphore, #tpu.memory_space<semaphore_mem>>)
          %while3A_235 = arith.constant 0 : i32
          scf.yield %while3A_235 : i32
        }
      } else {
      }
      %add3A_51 = arith.constant 1 : i32
      %add3A_52 = arith.addi %select_n3A_38, %add3A_51 : i32
      %mul3A_53 = arith.constant 8 : i32
      %mul3A_54 = arith.muli %mul3A_53, %add3A_52 : i32
      %max3A_55 = arith.maxsi %add3A_18, %mul3A_54 : i32
      %mul3A_56 = arith.constant 8 : i32
      %mul3A_57 = arith.muli %mul3A_56, %add3A_52 : i32
      %add3A_58 = arith.constant 8 : i32
      %add3A_59 = arith.addi %mul3A_57, %add3A_58 : i32
      %min3A_60 = arith.minsi %add3A_19, %add3A_59 : i32
      %gt3A_61 = arith.cmpi sgt, %min3A_60, %max3A_55 : i32
      %convert_element_type3A_62 = arith.extui %gt3A_61 : i1 to i32
      %cond3A_63 = arith.constant 0 : i32
      %cond3A_64 = arith.cmpi ne, %convert_element_type3A_62, %cond3A_63 : i32
      scf.if %cond3A_64 {
        %lt3A_200 = arith.constant 5 : i32
        %lt3A_201 = arith.cmpi slt, %add3A_52, %lt3A_200 : i32
        %add3A_202 = arith.constant 4 : i32
        %add3A_203 = arith.addi %add3A_52, %add3A_202 : i32
        %select_n3A_204 = arith.select %lt3A_201, %add3A_52, %add3A_203 : i32
        "tpu.region"() ({
          %run_scoped3A = tpu.sem_alloc : memref<!tpu.dma_semaphore, #tpu.memory_space<semaphore_mem>>
          %dma_start3A = arith.constant 0 : i32
          %dma_start3A_226 = arith.constant 0 : i32
          %dma_start3A_227 = tpu.memref_slice %arg4[%add3A_52, %dma_start3A, %dma_start3A_226] : memref<73x256x128xf32, #tpu.memory_space<hbm>> -> memref<1x256x128xf32, #tpu.memory_space<hbm>>
          %dma_start3A_228 = tpu.memref_squeeze %dma_start3A_227 : memref<1x256x128xf32, #tpu.memory_space<hbm>> -> memref<256x128xf32, #tpu.memory_space<hbm>>
          %dma_start3A_229 = arith.constant 0 : i32
          %dma_start3A_230 = arith.constant 0 : i32
          %dma_start3A_231 = tpu.memref_slice %arg4[%add3A_52, %dma_start3A_229, %dma_start3A_230] : memref<73x256x128xf32, #tpu.memory_space<hbm>> -> memref<1x256x128xf32, #tpu.memory_space<hbm>>
          %dma_start3A_232 = tpu.memref_squeeze %dma_start3A_231 : memref<1x256x128xf32, #tpu.memory_space<hbm>> -> memref<256x128xf32, #tpu.memory_space<hbm>>
          tpu.enqueue_dma source(%dma_start3A_232 : memref<256x128xf32, #tpu.memory_space<hbm>>) target(%arg11 : memref<256x128xf32, #tpu.memory_space<vmem>>) target_semaphore(%run_scoped3A : memref<!tpu.dma_semaphore, #tpu.memory_space<semaphore_mem>>)
          %dma_wait3A = arith.constant 0 : i32
          %dma_wait3A_233 = arith.constant 0 : i32
          %dma_wait3A_234 = tpu.memref_slice %arg4[%add3A_52, %dma_wait3A, %dma_wait3A_233] : memref<73x256x128xf32, #tpu.memory_space<hbm>> -> memref<1x256x128xf32, #tpu.memory_space<hbm>>
          %dma_wait3A_235 = tpu.memref_squeeze %dma_wait3A_234 : memref<1x256x128xf32, #tpu.memory_space<hbm>> -> memref<256x128xf32, #tpu.memory_space<hbm>>
          %dma_wait3A_236 = arith.constant 0 : i32
          %dma_wait3A_237 = arith.constant 0 : i32
          %dma_wait3A_238 = tpu.memref_slice %arg4[%add3A_52, %dma_wait3A_236, %dma_wait3A_237] : memref<73x256x128xf32, #tpu.memory_space<hbm>> -> memref<1x256x128xf32, #tpu.memory_space<hbm>>
          %dma_wait3A_239 = tpu.memref_squeeze %dma_wait3A_238 : memref<1x256x128xf32, #tpu.memory_space<hbm>> -> memref<256x128xf32, #tpu.memory_space<hbm>>
          tpu.wait_dma2 semaphore(%run_scoped3A : memref<!tpu.dma_semaphore, #tpu.memory_space<semaphore_mem>>) src(%dma_wait3A_239 : memref<256x128xf32, #tpu.memory_space<hbm>>) dst(%arg11 : memref<256x128xf32, #tpu.memory_space<vmem>>)
          tpu.yield
        }) : () -> ()
        %mul3A_205 = arith.constant 8 : i32
        %mul3A_206 = arith.muli %mul3A_205, %add3A_52 : i32
        %sub3A_207 = arith.subi %max3A_55, %mul3A_206 : i32
        %mul3A_208 = arith.constant 8 : i32
        %mul3A_209 = arith.muli %sub3A_207, %mul3A_208 : i32
        %mul3A_210 = arith.constant 8 : i32
        %mul3A_211 = arith.muli %mul3A_210, %add3A_52 : i32
        %sub3A_212 = arith.subi %min3A_60, %mul3A_211 : i32
        %mul3A_213 = arith.constant 8 : i32
        %mul3A_214 = arith.muli %sub3A_212, %mul3A_213 : i32
        %while3A_215 = arith.constant 0 : i32
        %while3A_216 = arith.subi %mul3A_214, %mul3A_209 : i32
        %while3A_217 = arith.addi %mul3A_209, %while3A_216 : i32
        %while3A_218 = arith.constant 1 : i32
        %while3A_219 = arith.divsi %while3A_216, %while3A_218 : i32
        %while3A_220 = arith.muli %while3A_219, %while3A_218 : i32
        %while3A_221 = arith.addi %mul3A_209, %while3A_220 : i32
        %while3A_222 = arith.constant 1 : i32
        %while3A_223 = scf.for %while3A_226 = %mul3A_209 to %while3A_221 step %while3A_222 iter_args(%while3A_227 = %while3A_215) -> (i32)  : i32 {
          %mul3A_228 = arith.constant 256 : i32
          %mul3A_229 = arith.muli %while3A_226, %mul3A_228 : i32
          %dma_start3A = arith.constant 0 : i32
          %dma_start3A_230 = tpu.memref_slice %arg5[%select_n3A_204, %mul3A_229, %dma_start3A] : memref<77x16384x128xf32, #tpu.memory_space<hbm>> -> memref<1x256x128xf32, #tpu.memory_space<hbm>>
          %dma_start3A_231 = tpu.memref_squeeze %dma_start3A_230 : memref<1x256x128xf32, #tpu.memory_space<hbm>> -> memref<256x128xf32, #tpu.memory_space<hbm>>
          %dma_start3A_232 = arith.constant 0 : i32
          %dma_start3A_233 = tpu.memref_slice %arg5[%select_n3A_204, %mul3A_229, %dma_start3A_232] : memref<77x16384x128xf32, #tpu.memory_space<hbm>> -> memref<1x256x128xf32, #tpu.memory_space<hbm>>
          %dma_start3A_234 = tpu.memref_squeeze %dma_start3A_233 : memref<1x256x128xf32, #tpu.memory_space<hbm>> -> memref<256x128xf32, #tpu.memory_space<hbm>>
          tpu.enqueue_dma source(%arg11 : memref<256x128xf32, #tpu.memory_space<vmem>>) target(%dma_start3A_234 : memref<256x128xf32, #tpu.memory_space<hbm>>) target_semaphore(%arg16 : memref<!tpu.dma_semaphore, #tpu.memory_space<semaphore_mem>>)
          %while3A_235 = arith.constant 0 : i32
          scf.yield %while3A_235 : i32
        }
        %while3A_224 = arith.constant 1 : i32
        %while3A_225 = scf.for %while3A_226 = %while3A_221 to %while3A_217 step %while3A_224 iter_args(%while3A_227 = %while3A_223) -> (i32)  : i32 {
          %mul3A_228 = arith.constant 256 : i32
          %mul3A_229 = arith.muli %while3A_226, %mul3A_228 : i32
          %dma_start3A = arith.constant 0 : i32
          %dma_start3A_230 = tpu.memref_slice %arg5[%select_n3A_204, %mul3A_229, %dma_start3A] : memref<77x16384x128xf32, #tpu.memory_space<hbm>> -> memref<1x256x128xf32, #tpu.memory_space<hbm>>
          %dma_start3A_231 = tpu.memref_squeeze %dma_start3A_230 : memref<1x256x128xf32, #tpu.memory_space<hbm>> -> memref<256x128xf32, #tpu.memory_space<hbm>>
          %dma_start3A_232 = arith.constant 0 : i32
          %dma_start3A_233 = tpu.memref_slice %arg5[%select_n3A_204, %mul3A_229, %dma_start3A_232] : memref<77x16384x128xf32, #tpu.memory_space<hbm>> -> memref<1x256x128xf32, #tpu.memory_space<hbm>>
          %dma_start3A_234 = tpu.memref_squeeze %dma_start3A_233 : memref<1x256x128xf32, #tpu.memory_space<hbm>> -> memref<256x128xf32, #tpu.memory_space<hbm>>
          tpu.enqueue_dma source(%arg11 : memref<256x128xf32, #tpu.memory_space<vmem>>) target(%dma_start3A_234 : memref<256x128xf32, #tpu.memory_space<hbm>>) target_semaphore(%arg16 : memref<!tpu.dma_semaphore, #tpu.memory_space<semaphore_mem>>)
          %while3A_235 = arith.constant 0 : i32
          scf.yield %while3A_235 : i32
        }
      } else {
      }
      %add3A_65 = arith.constant 2 : i32
      %add3A_66 = arith.addi %select_n3A_38, %add3A_65 : i32
      %mul3A_67 = arith.constant 8 : i32
      %mul3A_68 = arith.muli %mul3A_67, %add3A_66 : i32
      %max3A_69 = arith.maxsi %add3A_18, %mul3A_68 : i32
      %mul3A_70 = arith.constant 8 : i32
      %mul3A_71 = arith.muli %mul3A_70, %add3A_66 : i32
      %add3A_72 = arith.constant 8 : i32
      %add3A_73 = arith.addi %mul3A_71, %add3A_72 : i32
      %min3A_74 = arith.minsi %add3A_19, %add3A_73 : i32
      %add3A_75 = arith.constant 0 : i32
      %add3A_76 = arith.addi %select_n3A_38, %add3A_75 : i32
      %mul3A_77 = arith.constant 8 : i32
      %mul3A_78 = arith.muli %mul3A_77, %add3A_76 : i32
      %max3A_79 = arith.maxsi %add3A_18, %mul3A_78 : i32
      %mul3A_80 = arith.constant 8 : i32
      %mul3A_81 = arith.muli %mul3A_80, %add3A_76 : i32
      %add3A_82 = arith.constant 8 : i32
      %add3A_83 = arith.addi %mul3A_81, %add3A_82 : i32
      %min3A_84 = arith.minsi %add3A_19, %add3A_83 : i32
      %sub3A_85 = arith.subi %min3A_84, %max3A_79 : i32
      %max3A_86 = arith.constant 0 : i32
      %max3A_87 = arith.maxsi %sub3A_85, %max3A_86 : i32
      %mul3A_88 = arith.constant 8 : i32
      %mul3A_89 = arith.muli %max3A_87, %mul3A_88 : i32
      %while3A = arith.constant 0 : i32
      %while3A_90 = arith.constant 0 : i32
      %while3A_91 = arith.subi %mul3A_89, %while3A : i32
      %while3A_92 = arith.addi %while3A, %while3A_91 : i32
      %while3A_93 = arith.constant 1 : i32
      %while3A_94 = arith.divsi %while3A_91, %while3A_93 : i32
      %while3A_95 = arith.muli %while3A_94, %while3A_93 : i32
      %while3A_96 = arith.addi %while3A, %while3A_95 : i32
      %while3A_97 = arith.constant 1 : i32
      %while3A_98 = scf.for %while3A_200 = %while3A to %while3A_96 step %while3A_97 iter_args(%while3A_201 = %while3A_90) -> (i32)  : i32 {
        %dma_wait3A = arith.constant 0 : i32
        %dma_wait3A_202 = arith.constant 0 : i32
        %dma_wait3A_203 = arith.constant 0 : i32
        %dma_wait3A_204 = tpu.memref_slice %arg5[%dma_wait3A, %dma_wait3A_202, %dma_wait3A_203] : memref<77x16384x128xf32, #tpu.memory_space<hbm>> -> memref<1x256x128xf32, #tpu.memory_space<hbm>>
        %dma_wait3A_205 = tpu.memref_squeeze %dma_wait3A_204 : memref<1x256x128xf32, #tpu.memory_space<hbm>> -> memref<256x128xf32, #tpu.memory_space<hbm>>
        %dma_wait3A_206 = arith.constant 0 : i32
        %dma_wait3A_207 = arith.constant 0 : i32
        %dma_wait3A_208 = tpu.memref_slice %arg5[%dma_wait3A, %dma_wait3A_206, %dma_wait3A_207] : memref<77x16384x128xf32, #tpu.memory_space<hbm>> -> memref<1x256x128xf32, #tpu.memory_space<hbm>>
        %dma_wait3A_209 = tpu.memref_squeeze %dma_wait3A_208 : memref<1x256x128xf32, #tpu.memory_space<hbm>> -> memref<256x128xf32, #tpu.memory_space<hbm>>
        tpu.wait_dma2 semaphore(%arg16 : memref<!tpu.dma_semaphore, #tpu.memory_space<semaphore_mem>>) src(%arg10 : memref<256x128xf32, #tpu.memory_space<vmem>>) dst(%dma_wait3A_209 : memref<256x128xf32, #tpu.memory_space<hbm>>)
        %while3A_210 = arith.constant 0 : i32
        scf.yield %while3A_210 : i32
      }
      %while3A_99 = arith.constant 1 : i32
      %while3A_100 = scf.for %while3A_200 = %while3A_96 to %while3A_92 step %while3A_99 iter_args(%while3A_201 = %while3A_98) -> (i32)  : i32 {
        %dma_wait3A = arith.constant 0 : i32
        %dma_wait3A_202 = arith.constant 0 : i32
        %dma_wait3A_203 = arith.constant 0 : i32
        %dma_wait3A_204 = tpu.memref_slice %arg5[%dma_wait3A, %dma_wait3A_202, %dma_wait3A_203] : memref<77x16384x128xf32, #tpu.memory_space<hbm>> -> memref<1x256x128xf32, #tpu.memory_space<hbm>>
        %dma_wait3A_205 = tpu.memref_squeeze %dma_wait3A_204 : memref<1x256x128xf32, #tpu.memory_space<hbm>> -> memref<256x128xf32, #tpu.memory_space<hbm>>
        %dma_wait3A_206 = arith.constant 0 : i32
        %dma_wait3A_207 = arith.constant 0 : i32
        %dma_wait3A_208 = tpu.memref_slice %arg5[%dma_wait3A, %dma_wait3A_206, %dma_wait3A_207] : memref<77x16384x128xf32, #tpu.memory_space<hbm>> -> memref<1x256x128xf32, #tpu.memory_space<hbm>>
        %dma_wait3A_209 = tpu.memref_squeeze %dma_wait3A_208 : memref<1x256x128xf32, #tpu.memory_space<hbm>> -> memref<256x128xf32, #tpu.memory_space<hbm>>
        tpu.wait_dma2 semaphore(%arg16 : memref<!tpu.dma_semaphore, #tpu.memory_space<semaphore_mem>>) src(%arg10 : memref<256x128xf32, #tpu.memory_space<vmem>>) dst(%dma_wait3A_209 : memref<256x128xf32, #tpu.memory_space<hbm>>)
        %while3A_210 = arith.constant 0 : i32
        scf.yield %while3A_210 : i32
      }
      %gt3A_101 = arith.cmpi sgt, %min3A_74, %max3A_69 : i32
      %convert_element_type3A_102 = arith.extui %gt3A_101 : i1 to i32
      %cond3A_103 = arith.constant 0 : i32
      %cond3A_104 = arith.cmpi ne, %convert_element_type3A_102, %cond3A_103 : i32
      scf.if %cond3A_104 {
        %lt3A_200 = arith.constant 5 : i32
        %lt3A_201 = arith.cmpi slt, %add3A_66, %lt3A_200 : i32
        %add3A_202 = arith.constant 4 : i32
        %add3A_203 = arith.addi %add3A_66, %add3A_202 : i32
        %select_n3A_204 = arith.select %lt3A_201, %add3A_66, %add3A_203 : i32
        "tpu.region"() ({
          %run_scoped3A = tpu.sem_alloc : memref<!tpu.dma_semaphore, #tpu.memory_space<semaphore_mem>>
          %dma_start3A = arith.constant 0 : i32
          %dma_start3A_226 = arith.constant 0 : i32
          %dma_start3A_227 = tpu.memref_slice %arg4[%add3A_66, %dma_start3A, %dma_start3A_226] : memref<73x256x128xf32, #tpu.memory_space<hbm>> -> memref<1x256x128xf32, #tpu.memory_space<hbm>>
          %dma_start3A_228 = tpu.memref_squeeze %dma_start3A_227 : memref<1x256x128xf32, #tpu.memory_space<hbm>> -> memref<256x128xf32, #tpu.memory_space<hbm>>
          %dma_start3A_229 = arith.constant 0 : i32
          %dma_start3A_230 = arith.constant 0 : i32
          %dma_start3A_231 = tpu.memref_slice %arg4[%add3A_66, %dma_start3A_229, %dma_start3A_230] : memref<73x256x128xf32, #tpu.memory_space<hbm>> -> memref<1x256x128xf32, #tpu.memory_space<hbm>>
          %dma_start3A_232 = tpu.memref_squeeze %dma_start3A_231 : memref<1x256x128xf32, #tpu.memory_space<hbm>> -> memref<256x128xf32, #tpu.memory_space<hbm>>
          tpu.enqueue_dma source(%dma_start3A_232 : memref<256x128xf32, #tpu.memory_space<hbm>>) target(%arg10 : memref<256x128xf32, #tpu.memory_space<vmem>>) target_semaphore(%run_scoped3A : memref<!tpu.dma_semaphore, #tpu.memory_space<semaphore_mem>>)
          %dma_wait3A = arith.constant 0 : i32
          %dma_wait3A_233 = arith.constant 0 : i32
          %dma_wait3A_234 = tpu.memref_slice %arg4[%add3A_66, %dma_wait3A, %dma_wait3A_233] : memref<73x256x128xf32, #tpu.memory_space<hbm>> -> memref<1x256x128xf32, #tpu.memory_space<hbm>>
          %dma_wait3A_235 = tpu.memref_squeeze %dma_wait3A_234 : memref<1x256x128xf32, #tpu.memory_space<hbm>> -> memref<256x128xf32, #tpu.memory_space<hbm>>
          %dma_wait3A_236 = arith.constant 0 : i32
          %dma_wait3A_237 = arith.constant 0 : i32
          %dma_wait3A_238 = tpu.memref_slice %arg4[%add3A_66, %dma_wait3A_236, %dma_wait3A_237] : memref<73x256x128xf32, #tpu.memory_space<hbm>> -> memref<1x256x128xf32, #tpu.memory_space<hbm>>
          %dma_wait3A_239 = tpu.memref_squeeze %dma_wait3A_238 : memref<1x256x128xf32, #tpu.memory_space<hbm>> -> memref<256x128xf32, #tpu.memory_space<hbm>>
          tpu.wait_dma2 semaphore(%run_scoped3A : memref<!tpu.dma_semaphore, #tpu.memory_space<semaphore_mem>>) src(%dma_wait3A_239 : memref<256x128xf32, #tpu.memory_space<hbm>>) dst(%arg10 : memref<256x128xf32, #tpu.memory_space<vmem>>)
          tpu.yield
        }) : () -> ()
        %mul3A_205 = arith.constant 8 : i32
        %mul3A_206 = arith.muli %mul3A_205, %add3A_66 : i32
        %sub3A_207 = arith.subi %max3A_69, %mul3A_206 : i32
        %mul3A_208 = arith.constant 8 : i32
        %mul3A_209 = arith.muli %sub3A_207, %mul3A_208 : i32
        %mul3A_210 = arith.constant 8 : i32
        %mul3A_211 = arith.muli %mul3A_210, %add3A_66 : i32
        %sub3A_212 = arith.subi %min3A_74, %mul3A_211 : i32
        %mul3A_213 = arith.constant 8 : i32
        %mul3A_214 = arith.muli %sub3A_212, %mul3A_213 : i32
        %while3A_215 = arith.constant 0 : i32
        %while3A_216 = arith.subi %mul3A_214, %mul3A_209 : i32
        %while3A_217 = arith.addi %mul3A_209, %while3A_216 : i32
        %while3A_218 = arith.constant 1 : i32
        %while3A_219 = arith.divsi %while3A_216, %while3A_218 : i32
        %while3A_220 = arith.muli %while3A_219, %while3A_218 : i32
        %while3A_221 = arith.addi %mul3A_209, %while3A_220 : i32
        %while3A_222 = arith.constant 1 : i32
        %while3A_223 = scf.for %while3A_226 = %mul3A_209 to %while3A_221 step %while3A_222 iter_args(%while3A_227 = %while3A_215) -> (i32)  : i32 {
          %mul3A_228 = arith.constant 256 : i32
          %mul3A_229 = arith.muli %while3A_226, %mul3A_228 : i32
          %dma_start3A = arith.constant 0 : i32
          %dma_start3A_230 = tpu.memref_slice %arg5[%select_n3A_204, %mul3A_229, %dma_start3A] : memref<77x16384x128xf32, #tpu.memory_space<hbm>> -> memref<1x256x128xf32, #tpu.memory_space<hbm>>
          %dma_start3A_231 = tpu.memref_squeeze %dma_start3A_230 : memref<1x256x128xf32, #tpu.memory_space<hbm>> -> memref<256x128xf32, #tpu.memory_space<hbm>>
          %dma_start3A_232 = arith.constant 0 : i32
          %dma_start3A_233 = tpu.memref_slice %arg5[%select_n3A_204, %mul3A_229, %dma_start3A_232] : memref<77x16384x128xf32, #tpu.memory_space<hbm>> -> memref<1x256x128xf32, #tpu.memory_space<hbm>>
          %dma_start3A_234 = tpu.memref_squeeze %dma_start3A_233 : memref<1x256x128xf32, #tpu.memory_space<hbm>> -> memref<256x128xf32, #tpu.memory_space<hbm>>
          tpu.enqueue_dma source(%arg10 : memref<256x128xf32, #tpu.memory_space<vmem>>) target(%dma_start3A_234 : memref<256x128xf32, #tpu.memory_space<hbm>>) target_semaphore(%arg16 : memref<!tpu.dma_semaphore, #tpu.memory_space<semaphore_mem>>)
          %while3A_235 = arith.constant 0 : i32
          scf.yield %while3A_235 : i32
        }
        %while3A_224 = arith.constant 1 : i32
        %while3A_225 = scf.for %while3A_226 = %while3A_221 to %while3A_217 step %while3A_224 iter_args(%while3A_227 = %while3A_223) -> (i32)  : i32 {
          %mul3A_228 = arith.constant 256 : i32
          %mul3A_229 = arith.muli %while3A_226, %mul3A_228 : i32
          %dma_start3A = arith.constant 0 : i32
          %dma_start3A_230 = tpu.memref_slice %arg5[%select_n3A_204, %mul3A_229, %dma_start3A] : memref<77x16384x128xf32, #tpu.memory_space<hbm>> -> memref<1x256x128xf32, #tpu.memory_space<hbm>>
          %dma_start3A_231 = tpu.memref_squeeze %dma_start3A_230 : memref<1x256x128xf32, #tpu.memory_space<hbm>> -> memref<256x128xf32, #tpu.memory_space<hbm>>
          %dma_start3A_232 = arith.constant 0 : i32
          %dma_start3A_233 = tpu.memref_slice %arg5[%select_n3A_204, %mul3A_229, %dma_start3A_232] : memref<77x16384x128xf32, #tpu.memory_space<hbm>> -> memref<1x256x128xf32, #tpu.memory_space<hbm>>
          %dma_start3A_234 = tpu.memref_squeeze %dma_start3A_233 : memref<1x256x128xf32, #tpu.memory_space<hbm>> -> memref<256x128xf32, #tpu.memory_space<hbm>>
          tpu.enqueue_dma source(%arg10 : memref<256x128xf32, #tpu.memory_space<vmem>>) target(%dma_start3A_234 : memref<256x128xf32, #tpu.memory_space<hbm>>) target_semaphore(%arg16 : memref<!tpu.dma_semaphore, #tpu.memory_space<semaphore_mem>>)
          %while3A_235 = arith.constant 0 : i32
          scf.yield %while3A_235 : i32
        }
      } else {
      }
      %add3A_105 = arith.constant 3 : i32
      %add3A_106 = arith.addi %select_n3A_38, %add3A_105 : i32
      %mul3A_107 = arith.constant 8 : i32
      %mul3A_108 = arith.muli %mul3A_107, %add3A_106 : i32
      %max3A_109 = arith.maxsi %add3A_18, %mul3A_108 : i32
      %mul3A_110 = arith.constant 8 : i32
      %mul3A_111 = arith.muli %mul3A_110, %add3A_106 : i32
      %add3A_112 = arith.constant 8 : i32
      %add3A_113 = arith.addi %mul3A_111, %add3A_112 : i32
      %min3A_114 = arith.minsi %add3A_19, %add3A_113 : i32
      %add3A_115 = arith.constant 1 : i32
      %add3A_116 = arith.addi %select_n3A_38, %add3A_115 : i32
      %mul3A_117 = arith.constant 8 : i32
      %mul3A_118 = arith.muli %mul3A_117, %add3A_116 : i32
      %max3A_119 = arith.maxsi %add3A_18, %mul3A_118 : i32
      %mul3A_120 = arith.constant 8 : i32
      %mul3A_121 = arith.muli %mul3A_120, %add3A_116 : i32
      %add3A_122 = arith.constant 8 : i32
      %add3A_123 = arith.addi %mul3A_121, %add3A_122 : i32
      %min3A_124 = arith.minsi %add3A_19, %add3A_123 : i32
      %sub3A_125 = arith.subi %min3A_124, %max3A_119 : i32
      %max3A_126 = arith.constant 0 : i32
      %max3A_127 = arith.maxsi %sub3A_125, %max3A_126 : i32
      %mul3A_128 = arith.constant 8 : i32
      %mul3A_129 = arith.muli %max3A_127, %mul3A_128 : i32
      %while3A_130 = arith.constant 0 : i32
      %while3A_131 = arith.constant 0 : i32
      %while3A_132 = arith.subi %mul3A_129, %while3A_130 : i32
      %while3A_133 = arith.addi %while3A_130, %while3A_132 : i32
      %while3A_134 = arith.constant 1 : i32
      %while3A_135 = arith.divsi %while3A_132, %while3A_134 : i32
      %while3A_136 = arith.muli %while3A_135, %while3A_134 : i32
      %while3A_137 = arith.addi %while3A_130, %while3A_136 : i32
      %while3A_138 = arith.constant 1 : i32
      %while3A_139 = scf.for %while3A_200 = %while3A_130 to %while3A_137 step %while3A_138 iter_args(%while3A_201 = %while3A_131) -> (i32)  : i32 {
        %dma_wait3A = arith.constant 0 : i32
        %dma_wait3A_202 = arith.constant 0 : i32
        %dma_wait3A_203 = arith.constant 0 : i32
        %dma_wait3A_204 = tpu.memref_slice %arg5[%dma_wait3A, %dma_wait3A_202, %dma_wait3A_203] : memref<77x16384x128xf32, #tpu.memory_space<hbm>> -> memref<1x256x128xf32, #tpu.memory_space<hbm>>
        %dma_wait3A_205 = tpu.memref_squeeze %dma_wait3A_204 : memref<1x256x128xf32, #tpu.memory_space<hbm>> -> memref<256x128xf32, #tpu.memory_space<hbm>>
        %dma_wait3A_206 = arith.constant 0 : i32
        %dma_wait3A_207 = arith.constant 0 : i32
        %dma_wait3A_208 = tpu.memref_slice %arg5[%dma_wait3A, %dma_wait3A_206, %dma_wait3A_207] : memref<77x16384x128xf32, #tpu.memory_space<hbm>> -> memref<1x256x128xf32, #tpu.memory_space<hbm>>
        %dma_wait3A_209 = tpu.memref_squeeze %dma_wait3A_208 : memref<1x256x128xf32, #tpu.memory_space<hbm>> -> memref<256x128xf32, #tpu.memory_space<hbm>>
        tpu.wait_dma2 semaphore(%arg16 : memref<!tpu.dma_semaphore, #tpu.memory_space<semaphore_mem>>) src(%arg11 : memref<256x128xf32, #tpu.memory_space<vmem>>) dst(%dma_wait3A_209 : memref<256x128xf32, #tpu.memory_space<hbm>>)
        %while3A_210 = arith.constant 0 : i32
        scf.yield %while3A_210 : i32
      }
      %while3A_140 = arith.constant 1 : i32
      %while3A_141 = scf.for %while3A_200 = %while3A_137 to %while3A_133 step %while3A_140 iter_args(%while3A_201 = %while3A_139) -> (i32)  : i32 {
        %dma_wait3A = arith.constant 0 : i32
        %dma_wait3A_202 = arith.constant 0 : i32
        %dma_wait3A_203 = arith.constant 0 : i32
        %dma_wait3A_204 = tpu.memref_slice %arg5[%dma_wait3A, %dma_wait3A_202, %dma_wait3A_203] : memref<77x16384x128xf32, #tpu.memory_space<hbm>> -> memref<1x256x128xf32, #tpu.memory_space<hbm>>
        %dma_wait3A_205 = tpu.memref_squeeze %dma_wait3A_204 : memref<1x256x128xf32, #tpu.memory_space<hbm>> -> memref<256x128xf32, #tpu.memory_space<hbm>>
        %dma_wait3A_206 = arith.constant 0 : i32
        %dma_wait3A_207 = arith.constant 0 : i32
        %dma_wait3A_208 = tpu.memref_slice %arg5[%dma_wait3A, %dma_wait3A_206, %dma_wait3A_207] : memref<77x16384x128xf32, #tpu.memory_space<hbm>> -> memref<1x256x128xf32, #tpu.memory_space<hbm>>
        %dma_wait3A_209 = tpu.memref_squeeze %dma_wait3A_208 : memref<1x256x128xf32, #tpu.memory_space<hbm>> -> memref<256x128xf32, #tpu.memory_space<hbm>>
        tpu.wait_dma2 semaphore(%arg16 : memref<!tpu.dma_semaphore, #tpu.memory_space<semaphore_mem>>) src(%arg11 : memref<256x128xf32, #tpu.memory_space<vmem>>) dst(%dma_wait3A_209 : memref<256x128xf32, #tpu.memory_space<hbm>>)
        %while3A_210 = arith.constant 0 : i32
        scf.yield %while3A_210 : i32
      }
      %gt3A_142 = arith.cmpi sgt, %min3A_114, %max3A_109 : i32
      %convert_element_type3A_143 = arith.extui %gt3A_142 : i1 to i32
      %cond3A_144 = arith.constant 0 : i32
      %cond3A_145 = arith.cmpi ne, %convert_element_type3A_143, %cond3A_144 : i32
      scf.if %cond3A_145 {
        %lt3A_200 = arith.constant 5 : i32
        %lt3A_201 = arith.cmpi slt, %add3A_106, %lt3A_200 : i32
        %add3A_202 = arith.constant 4 : i32
        %add3A_203 = arith.addi %add3A_106, %add3A_202 : i32
        %select_n3A_204 = arith.select %lt3A_201, %add3A_106, %add3A_203 : i32
        "tpu.region"() ({
          %run_scoped3A = tpu.sem_alloc : memref<!tpu.dma_semaphore, #tpu.memory_space<semaphore_mem>>
          %dma_start3A = arith.constant 0 : i32
          %dma_start3A_226 = arith.constant 0 : i32
          %dma_start3A_227 = tpu.memref_slice %arg4[%add3A_106, %dma_start3A, %dma_start3A_226] : memref<73x256x128xf32, #tpu.memory_space<hbm>> -> memref<1x256x128xf32, #tpu.memory_space<hbm>>
          %dma_start3A_228 = tpu.memref_squeeze %dma_start3A_227 : memref<1x256x128xf32, #tpu.memory_space<hbm>> -> memref<256x128xf32, #tpu.memory_space<hbm>>
          %dma_start3A_229 = arith.constant 0 : i32
          %dma_start3A_230 = arith.constant 0 : i32
          %dma_start3A_231 = tpu.memref_slice %arg4[%add3A_106, %dma_start3A_229, %dma_start3A_230] : memref<73x256x128xf32, #tpu.memory_space<hbm>> -> memref<1x256x128xf32, #tpu.memory_space<hbm>>
          %dma_start3A_232 = tpu.memref_squeeze %dma_start3A_231 : memref<1x256x128xf32, #tpu.memory_space<hbm>> -> memref<256x128xf32, #tpu.memory_space<hbm>>
          tpu.enqueue_dma source(%dma_start3A_232 : memref<256x128xf32, #tpu.memory_space<hbm>>) target(%arg11 : memref<256x128xf32, #tpu.memory_space<vmem>>) target_semaphore(%run_scoped3A : memref<!tpu.dma_semaphore, #tpu.memory_space<semaphore_mem>>)
          %dma_wait3A = arith.constant 0 : i32
          %dma_wait3A_233 = arith.constant 0 : i32
          %dma_wait3A_234 = tpu.memref_slice %arg4[%add3A_106, %dma_wait3A, %dma_wait3A_233] : memref<73x256x128xf32, #tpu.memory_space<hbm>> -> memref<1x256x128xf32, #tpu.memory_space<hbm>>
          %dma_wait3A_235 = tpu.memref_squeeze %dma_wait3A_234 : memref<1x256x128xf32, #tpu.memory_space<hbm>> -> memref<256x128xf32, #tpu.memory_space<hbm>>
          %dma_wait3A_236 = arith.constant 0 : i32
          %dma_wait3A_237 = arith.constant 0 : i32
          %dma_wait3A_238 = tpu.memref_slice %arg4[%add3A_106, %dma_wait3A_236, %dma_wait3A_237] : memref<73x256x128xf32, #tpu.memory_space<hbm>> -> memref<1x256x128xf32, #tpu.memory_space<hbm>>
          %dma_wait3A_239 = tpu.memref_squeeze %dma_wait3A_238 : memref<1x256x128xf32, #tpu.memory_space<hbm>> -> memref<256x128xf32, #tpu.memory_space<hbm>>
          tpu.wait_dma2 semaphore(%run_scoped3A : memref<!tpu.dma_semaphore, #tpu.memory_space<semaphore_mem>>) src(%dma_wait3A_239 : memref<256x128xf32, #tpu.memory_space<hbm>>) dst(%arg11 : memref<256x128xf32, #tpu.memory_space<vmem>>)
          tpu.yield
        }) : () -> ()
        %mul3A_205 = arith.constant 8 : i32
        %mul3A_206 = arith.muli %mul3A_205, %add3A_106 : i32
        %sub3A_207 = arith.subi %max3A_109, %mul3A_206 : i32
        %mul3A_208 = arith.constant 8 : i32
        %mul3A_209 = arith.muli %sub3A_207, %mul3A_208 : i32
        %mul3A_210 = arith.constant 8 : i32
        %mul3A_211 = arith.muli %mul3A_210, %add3A_106 : i32
        %sub3A_212 = arith.subi %min3A_114, %mul3A_211 : i32
        %mul3A_213 = arith.constant 8 : i32
        %mul3A_214 = arith.muli %sub3A_212, %mul3A_213 : i32
        %while3A_215 = arith.constant 0 : i32
        %while3A_216 = arith.subi %mul3A_214, %mul3A_209 : i32
        %while3A_217 = arith.addi %mul3A_209, %while3A_216 : i32
        %while3A_218 = arith.constant 1 : i32
        %while3A_219 = arith.divsi %while3A_216, %while3A_218 : i32
        %while3A_220 = arith.muli %while3A_219, %while3A_218 : i32
        %while3A_221 = arith.addi %mul3A_209, %while3A_220 : i32
        %while3A_222 = arith.constant 1 : i32
        %while3A_223 = scf.for %while3A_226 = %mul3A_209 to %while3A_221 step %while3A_222 iter_args(%while3A_227 = %while3A_215) -> (i32)  : i32 {
          %mul3A_228 = arith.constant 256 : i32
          %mul3A_229 = arith.muli %while3A_226, %mul3A_228 : i32
          %dma_start3A = arith.constant 0 : i32
          %dma_start3A_230 = tpu.memref_slice %arg5[%select_n3A_204, %mul3A_229, %dma_start3A] : memref<77x16384x128xf32, #tpu.memory_space<hbm>> -> memref<1x256x128xf32, #tpu.memory_space<hbm>>
          %dma_start3A_231 = tpu.memref_squeeze %dma_start3A_230 : memref<1x256x128xf32, #tpu.memory_space<hbm>> -> memref<256x128xf32, #tpu.memory_space<hbm>>
          %dma_start3A_232 = arith.constant 0 : i32
          %dma_start3A_233 = tpu.memref_slice %arg5[%select_n3A_204, %mul3A_229, %dma_start3A_232] : memref<77x16384x128xf32, #tpu.memory_space<hbm>> -> memref<1x256x128xf32, #tpu.memory_space<hbm>>
          %dma_start3A_234 = tpu.memref_squeeze %dma_start3A_233 : memref<1x256x128xf32, #tpu.memory_space<hbm>> -> memref<256x128xf32, #tpu.memory_space<hbm>>
          tpu.enqueue_dma source(%arg11 : memref<256x128xf32, #tpu.memory_space<vmem>>) target(%dma_start3A_234 : memref<256x128xf32, #tpu.memory_space<hbm>>) target_semaphore(%arg16 : memref<!tpu.dma_semaphore, #tpu.memory_space<semaphore_mem>>)
          %while3A_235 = arith.constant 0 : i32
          scf.yield %while3A_235 : i32
        }
        %while3A_224 = arith.constant 1 : i32
        %while3A_225 = scf.for %while3A_226 = %while3A_221 to %while3A_217 step %while3A_224 iter_args(%while3A_227 = %while3A_223) -> (i32)  : i32 {
          %mul3A_228 = arith.constant 256 : i32
          %mul3A_229 = arith.muli %while3A_226, %mul3A_228 : i32
          %dma_start3A = arith.constant 0 : i32
          %dma_start3A_230 = tpu.memref_slice %arg5[%select_n3A_204, %mul3A_229, %dma_start3A] : memref<77x16384x128xf32, #tpu.memory_space<hbm>> -> memref<1x256x128xf32, #tpu.memory_space<hbm>>
          %dma_start3A_231 = tpu.memref_squeeze %dma_start3A_230 : memref<1x256x128xf32, #tpu.memory_space<hbm>> -> memref<256x128xf32, #tpu.memory_space<hbm>>
          %dma_start3A_232 = arith.constant 0 : i32
          %dma_start3A_233 = tpu.memref_slice %arg5[%select_n3A_204, %mul3A_229, %dma_start3A_232] : memref<77x16384x128xf32, #tpu.memory_space<hbm>> -> memref<1x256x128xf32, #tpu.memory_space<hbm>>
          %dma_start3A_234 = tpu.memref_squeeze %dma_start3A_233 : memref<1x256x128xf32, #tpu.memory_space<hbm>> -> memref<256x128xf32, #tpu.memory_space<hbm>>
          tpu.enqueue_dma source(%arg11 : memref<256x128xf32, #tpu.memory_space<vmem>>) target(%dma_start3A_234 : memref<256x128xf32, #tpu.memory_space<hbm>>) target_semaphore(%arg16 : memref<!tpu.dma_semaphore, #tpu.memory_space<semaphore_mem>>)
          %while3A_235 = arith.constant 0 : i32
          scf.yield %while3A_235 : i32
        }
      } else {
      }
      %add3A_146 = arith.constant 2 : i32
      %add3A_147 = arith.addi %select_n3A_38, %add3A_146 : i32
      %mul3A_148 = arith.constant 8 : i32
      %mul3A_149 = arith.muli %mul3A_148, %add3A_147 : i32
      %max3A_150 = arith.maxsi %add3A_18, %mul3A_149 : i32
      %mul3A_151 = arith.constant 8 : i32
      %mul3A_152 = arith.muli %mul3A_151, %add3A_147 : i32
      %add3A_153 = arith.constant 8 : i32
      %add3A_154 = arith.addi %mul3A_152, %add3A_153 : i32
      %min3A_155 = arith.minsi %add3A_19, %add3A_154 : i32
      %sub3A_156 = arith.subi %min3A_155, %max3A_150 : i32
      %max3A_157 = arith.constant 0 : i32
      %max3A_158 = arith.maxsi %sub3A_156, %max3A_157 : i32
      %mul3A_159 = arith.constant 8 : i32
      %mul3A_160 = arith.muli %max3A_158, %mul3A_159 : i32
      %while3A_161 = arith.constant 0 : i32
      %while3A_162 = arith.constant 0 : i32
      %while3A_163 = arith.subi %mul3A_160, %while3A_161 : i32
      %while3A_164 = arith.addi %while3A_161, %while3A_163 : i32
      %while3A_165 = arith.constant 1 : i32
      %while3A_166 = arith.divsi %while3A_163, %while3A_165 : i32
      %while3A_167 = arith.muli %while3A_166, %while3A_165 : i32
      %while3A_168 = arith.addi %while3A_161, %while3A_167 : i32
      %while3A_169 = arith.constant 1 : i32
      %while3A_170 = scf.for %while3A_200 = %while3A_161 to %while3A_168 step %while3A_169 iter_args(%while3A_201 = %while3A_162) -> (i32)  : i32 {
        %dma_wait3A = arith.constant 0 : i32
        %dma_wait3A_202 = arith.constant 0 : i32
        %dma_wait3A_203 = arith.constant 0 : i32
        %dma_wait3A_204 = tpu.memref_slice %arg5[%dma_wait3A, %dma_wait3A_202, %dma_wait3A_203] : memref<77x16384x128xf32, #tpu.memory_space<hbm>> -> memref<1x256x128xf32, #tpu.memory_space<hbm>>
        %dma_wait3A_205 = tpu.memref_squeeze %dma_wait3A_204 : memref<1x256x128xf32, #tpu.memory_space<hbm>> -> memref<256x128xf32, #tpu.memory_space<hbm>>
        %dma_wait3A_206 = arith.constant 0 : i32
        %dma_wait3A_207 = arith.constant 0 : i32
        %dma_wait3A_208 = tpu.memref_slice %arg5[%dma_wait3A, %dma_wait3A_206, %dma_wait3A_207] : memref<77x16384x128xf32, #tpu.memory_space<hbm>> -> memref<1x256x128xf32, #tpu.memory_space<hbm>>
        %dma_wait3A_209 = tpu.memref_squeeze %dma_wait3A_208 : memref<1x256x128xf32, #tpu.memory_space<hbm>> -> memref<256x128xf32, #tpu.memory_space<hbm>>
        tpu.wait_dma2 semaphore(%arg16 : memref<!tpu.dma_semaphore, #tpu.memory_space<semaphore_mem>>) src(%arg10 : memref<256x128xf32, #tpu.memory_space<vmem>>) dst(%dma_wait3A_209 : memref<256x128xf32, #tpu.memory_space<hbm>>)
        %while3A_210 = arith.constant 0 : i32
        scf.yield %while3A_210 : i32
      }
      %while3A_171 = arith.constant 1 : i32
      %while3A_172 = scf.for %while3A_200 = %while3A_168 to %while3A_164 step %while3A_171 iter_args(%while3A_201 = %while3A_170) -> (i32)  : i32 {
        %dma_wait3A = arith.constant 0 : i32
        %dma_wait3A_202 = arith.constant 0 : i32
        %dma_wait3A_203 = arith.constant 0 : i32
        %dma_wait3A_204 = tpu.memref_slice %arg5[%dma_wait3A, %dma_wait3A_202, %dma_wait3A_203] : memref<77x16384x128xf32, #tpu.memory_space<hbm>> -> memref<1x256x128xf32, #tpu.memory_space<hbm>>
        %dma_wait3A_205 = tpu.memref_squeeze %dma_wait3A_204 : memref<1x256x128xf32, #tpu.memory_space<hbm>> -> memref<256x128xf32, #tpu.memory_space<hbm>>
        %dma_wait3A_206 = arith.constant 0 : i32
        %dma_wait3A_207 = arith.constant 0 : i32
        %dma_wait3A_208 = tpu.memref_slice %arg5[%dma_wait3A, %dma_wait3A_206, %dma_wait3A_207] : memref<77x16384x128xf32, #tpu.memory_space<hbm>> -> memref<1x256x128xf32, #tpu.memory_space<hbm>>
        %dma_wait3A_209 = tpu.memref_squeeze %dma_wait3A_208 : memref<1x256x128xf32, #tpu.memory_space<hbm>> -> memref<256x128xf32, #tpu.memory_space<hbm>>
        tpu.wait_dma2 semaphore(%arg16 : memref<!tpu.dma_semaphore, #tpu.memory_space<semaphore_mem>>) src(%arg10 : memref<256x128xf32, #tpu.memory_space<vmem>>) dst(%dma_wait3A_209 : memref<256x128xf32, #tpu.memory_space<hbm>>)
        %while3A_210 = arith.constant 0 : i32
        scf.yield %while3A_210 : i32
      }
      %add3A_173 = arith.constant 3 : i32
      %add3A_174 = arith.addi %select_n3A_38, %add3A_173 : i32
      %mul3A_175 = arith.constant 8 : i32
      %mul3A_176 = arith.muli %mul3A_175, %add3A_174 : i32
      %max3A_177 = arith.maxsi %add3A_18, %mul3A_176 : i32
      %mul3A_178 = arith.constant 8 : i32
      %mul3A_179 = arith.muli %mul3A_178, %add3A_174 : i32
      %add3A_180 = arith.constant 8 : i32
      %add3A_181 = arith.addi %mul3A_179, %add3A_180 : i32
      %min3A_182 = arith.minsi %add3A_19, %add3A_181 : i32
      %sub3A_183 = arith.subi %min3A_182, %max3A_177 : i32
      %max3A_184 = arith.constant 0 : i32
      %max3A_185 = arith.maxsi %sub3A_183, %max3A_184 : i32
      %mul3A_186 = arith.constant 8 : i32
      %mul3A_187 = arith.muli %max3A_185, %mul3A_186 : i32
      %while3A_188 = arith.constant 0 : i32
      %while3A_189 = arith.constant 0 : i32
      %while3A_190 = arith.subi %mul3A_187, %while3A_188 : i32
      %while3A_191 = arith.addi %while3A_188, %while3A_190 : i32
      %while3A_192 = arith.constant 1 : i32
      %while3A_193 = arith.divsi %while3A_190, %while3A_192 : i32
      %while3A_194 = arith.muli %while3A_193, %while3A_192 : i32
      %while3A_195 = arith.addi %while3A_188, %while3A_194 : i32
      %while3A_196 = arith.constant 1 : i32
      %while3A_197 = scf.for %while3A_200 = %while3A_188 to %while3A_195 step %while3A_196 iter_args(%while3A_201 = %while3A_189) -> (i32)  : i32 {
        %dma_wait3A = arith.constant 0 : i32
        %dma_wait3A_202 = arith.constant 0 : i32
        %dma_wait3A_203 = arith.constant 0 : i32
        %dma_wait3A_204 = tpu.memref_slice %arg5[%dma_wait3A, %dma_wait3A_202, %dma_wait3A_203] : memref<77x16384x128xf32, #tpu.memory_space<hbm>> -> memref<1x256x128xf32, #tpu.memory_space<hbm>>
        %dma_wait3A_205 = tpu.memref_squeeze %dma_wait3A_204 : memref<1x256x128xf32, #tpu.memory_space<hbm>> -> memref<256x128xf32, #tpu.memory_space<hbm>>
        %dma_wait3A_206 = arith.constant 0 : i32
        %dma_wait3A_207 = arith.constant 0 : i32
        %dma_wait3A_208 = tpu.memref_slice %arg5[%dma_wait3A, %dma_wait3A_206, %dma_wait3A_207] : memref<77x16384x128xf32, #tpu.memory_space<hbm>> -> memref<1x256x128xf32, #tpu.memory_space<hbm>>
        %dma_wait3A_209 = tpu.memref_squeeze %dma_wait3A_208 : memref<1x256x128xf32, #tpu.memory_space<hbm>> -> memref<256x128xf32, #tpu.memory_space<hbm>>
        tpu.wait_dma2 semaphore(%arg16 : memref<!tpu.dma_semaphore, #tpu.memory_space<semaphore_mem>>) src(%arg11 : memref<256x128xf32, #tpu.memory_space<vmem>>) dst(%dma_wait3A_209 : memref<256x128xf32, #tpu.memory_space<hbm>>)
        %while3A_210 = arith.constant 0 : i32
        scf.yield %while3A_210 : i32
      }
      %while3A_198 = arith.constant 1 : i32
      %while3A_199 = scf.for %while3A_200 = %while3A_195 to %while3A_191 step %while3A_198 iter_args(%while3A_201 = %while3A_197) -> (i32)  : i32 {
        %dma_wait3A = arith.constant 0 : i32
        %dma_wait3A_202 = arith.constant 0 : i32
        %dma_wait3A_203 = arith.constant 0 : i32
        %dma_wait3A_204 = tpu.memref_slice %arg5[%dma_wait3A, %dma_wait3A_202, %dma_wait3A_203] : memref<77x16384x128xf32, #tpu.memory_space<hbm>> -> memref<1x256x128xf32, #tpu.memory_space<hbm>>
        %dma_wait3A_205 = tpu.memref_squeeze %dma_wait3A_204 : memref<1x256x128xf32, #tpu.memory_space<hbm>> -> memref<256x128xf32, #tpu.memory_space<hbm>>
        %dma_wait3A_206 = arith.constant 0 : i32
        %dma_wait3A_207 = arith.constant 0 : i32
        %dma_wait3A_208 = tpu.memref_slice %arg5[%dma_wait3A, %dma_wait3A_206, %dma_wait3A_207] : memref<77x16384x128xf32, #tpu.memory_space<hbm>> -> memref<1x256x128xf32, #tpu.memory_space<hbm>>
        %dma_wait3A_209 = tpu.memref_squeeze %dma_wait3A_208 : memref<1x256x128xf32, #tpu.memory_space<hbm>> -> memref<256x128xf32, #tpu.memory_space<hbm>>
        tpu.wait_dma2 semaphore(%arg16 : memref<!tpu.dma_semaphore, #tpu.memory_space<semaphore_mem>>) src(%arg11 : memref<256x128xf32, #tpu.memory_space<vmem>>) dst(%dma_wait3A_209 : memref<256x128xf32, #tpu.memory_space<hbm>>)
        %while3A_210 = arith.constant 0 : i32
        scf.yield %while3A_210 : i32
      }
    } else {
    }
    return
  }
}

</mosaic_0001>

<sc_bundles>
// kernel: kernel.3.cloned.1.call-start
scs
__scs_entry_jumppad:
0x0: {  	(pc) =	sbr.rel $0x88, $3  }
0x1: {  	(tag) =	ssettag $0x0;
	lr =	simm.s32 $0x1  }
0x2: {  	[smem:$0x3F9D] =	sst lr;
	_ =	strace $0xD0000000  }
0x3: {  	_ = 	snop  }
0x4: {  	_ = 	snop  }
0x5: {  	_ = 	snop  }
0x6: {  	_ = 	snop  }
0x7: {  	_ = 	snop  }
__scs_overlays_trampoline_lowered:
0x8: {  	[smem:$0x3FAC] =	sst s0  }
0x9: {  	[smem:$0x3FAD] =	sst s1  }
0xa: {  	[smem:$0x3FAE] =	sst s2  }
0xb: {  	[smem:$0x3FAF] =	sst s3  }
0xc: {  	[smem:$0x3FB0] =	sst s4  }
0xd: {  	[smem:$0x3FB1] =	sst s5  }
0xe: {  	[smem:$0x3FB2] =	sst s6  }
0xf: {  	[smem:$0x3FB3] =	sst s7  }
0x10: {  	[smem:$0x3FB4] =	sst s8  }
0x11: {  	[smem:$0x3FB5] =	sst s9;
	s0 =	simm.s32 @!p0 $0x0  }
0x12: {  	s1 =	sld [smem:$0x3F9B];
	s0 =	simm.s32 @p0 $0x1  }
0x13: {  	[smem:$0x3FB6] =	sst s0;
	s0 =	simm.s32 @!p1 $0x0  }
0x14: {  	s2 =	sld [smem:$0x3F9A];
	s0 =	simm.s32 @p1 $0x1  }
0x15: {  	[smem:$0x3FB7] =	sst s0;
	s0 =	simm.s32 @!p2 $0x0  }
0x16: {  	s3 =	sld [smem:$0x3FDB];
	s0 =	simm.s32 @p2 $0x1  }
0x17: {  	s4 =	simm.s32 $0x1BF5;
	[smem:$0x3FB9] =	sst s0  }
0x18: {  	s0 =	sld [smem:$0x3F9C];
	_ =	swait.ge [sflag:s4], $0x0  }
0x19: {  	s7 =	sld [smem:$0x3F9D]  }
0x1a: {  	s8 =	sadd.s32 $0xFFFFE003, lr  }
0x1b: {  	s9 =	sadd.s32 $0xFFFFFEF7, lr;
	s5 =	simm.s32 $0xFFFFFFFF;
	p2 =	slt.u32 s8, $0xFFFFF086  }
0x1c: {  	p1 =	slt.u32 s9, $0xF7A;
	s5 =	simm.s32 @!p2 $0x0  }
0x1d: {  	s5 =	simm.s32 @p1 $0x1;
	p0 =	seq.s32 s7, s2  }
0x1e: {  	s7 =	smul.u32 @!p0 $0xF7A, s2;
	p2 =	seq.s32 @!p0 s5, $0x0  }
0x1f: {  	s9 =	smul.u32 $0xF7A, s1;
	s8 =	simm.s32 @!p0 $0x1BF5;
	p2 =	por !p2, p0  }
0x20: {  	[sflag:s8] =	ssyncset.s32 @!p0 $0xFFFFF086;
	s6 =	sadd.s32 @!p0 s3, s7;
	s7 =	simm.s32 @!p0 $0x108  }
0x21: {  	s3 =	sadd.s32 s3, s9;
	s6 =	sadd.s32 @!p0 $0x88, s6;
	s7 =	simm.s32 @p2 $0x1082  }
0x22: {  	[simem:s7], [sflag:s8] =	dma.local @!p0 [hbm:s6], $0xF7A  }
0x23: {  	s9 =	sor.u32 $0xD0000000, s2;
	s6 =	simm.s32 $0x108;
	_ =	swait.ge @!p0 [sflag:s8], $0x0  }
0x24: {  	s3 =	sadd.s32 $0x88, s3;
	s6 =	simm.s32 @!p1 $0x1082;
	[sflag:s4] =	ssyncset.s32 $0xFFFFF086  }
0x25: {  	[simem:s6], [sflag:s4] =	dma.local [hbm:s3], $0xF7A  }
0x26: {  	[smem:$0x3F9D] =	sst s1;
	(tag) =	ssettag s2;
	_ =	strace s9  }
0x27: {  	s1 =	sld [smem:$0x3FAD]  }
0x28: {  	s2 =	sld [smem:$0x3FAE]  }
0x29: {  	s4 =	sld [smem:$0x3FB0]  }
0x2a: {  	p0 =	seq.s32 s5, $0x0;
	s5 =	sld [smem:$0x3FB1]  }
0x2b: {  	s6 =	sld [smem:$0x3FB2]  }
0x2c: {  	s7 =	sld [smem:$0x3FB3]  }
0x2d: {  	s3 =	simm.s32 $0x108;
	s8 =	sld [smem:$0x3FB4]  }
0x2e: {  	s3 =	simm.s32 @!p0 $0x1082;
	s9 =	sld [smem:$0x3FB5]  }
0x2f: {  	lr =	sadd.s32 s0, s3;
	s0 =	sld [smem:$0x3FAC]  }
0x30: {  	s3 =	sld [smem:$0x3FAF]  }
0x31: {  	[smem:$0x3FB8] =	sst s10  }
0x32: {  	s10 =	sld [smem:$0x3FB6];
	_ =	sdelay $0x3  }
0x33: {  	p0 =	seq.s32 s10, $0x1;
	s10 =	sld [smem:$0x3FB8];
	_ =	sdelay $0x3  }
0x34: {  	[smem:$0x3FB8] =	sst s10  }
0x35: {  	s10 =	sld [smem:$0x3FB7];
	_ =	sdelay $0x3  }
0x36: {  	p1 =	seq.s32 s10, $0x1;
	s10 =	sld [smem:$0x3FB8];
	_ =	sdelay $0x3  }
0x37: {  	[smem:$0x3FB8] =	sst s10  }
0x38: {  	s10 =	sld [smem:$0x3FB9]  }
0x39: {  	_ = 	snop;
	(pc) =	sbr.ind lr, $3  }
0x3a: {  	_ = 	snop  }
0x3b: {  	_ = 	snop  }
0x3c: {  	p2 =	seq.s32 s10, $0x1;
	s10 =	sld [smem:$0x3FB8]  }
0x3d: {  	_ =	shalt  }
0x3e: {  	_ =	shalt  }
0x3f: {  	_ =	shalt  }
0x40: {  	_ =	shalt  }
0x41: {  	_ =	shalt  }
0x42: {  	_ =	shalt  }
0x43: {  	_ =	shalt  }
0x44: {  	_ =	shalt  }
0x45: {  	_ =	shalt  }
0x46: {  	_ =	shalt  }
0x47: {  	_ =	shalt  }
0x48: {  	_ =	shalt  }
0x49: {  	_ =	shalt  }
0x4a: {  	_ =	shalt  }
0x4b: {  	_ =	shalt  }
0x4c: {  	_ =	shalt  }
0x4d: {  	_ =	shalt  }
0x4e: {  	_ =	shalt  }
0x4f: {  	_ =	shalt  }
0x50: {  	_ =	shalt  }
0x51: {  	_ =	shalt  }
0x52: {  	_ =	shalt  }
0x53: {  	_ =	shalt  }
0x54: {  	_ =	shalt  }
0x55: {  	_ =	shalt  }
0x56: {  	_ =	shalt  }
0x57: {  	_ =	shalt  }
0x58: {  	_ =	shalt  }
0x59: {  	_ =	shalt  }
0x5a: {  	_ =	shalt  }
0x5b: {  	_ =	shalt  }
0x5c: {  	_ =	shalt  }
0x5d: {  	_ =	shalt  }
0x5e: {  	_ =	shalt  }
0x5f: {  	_ =	shalt  }
0x60: {  	_ =	shalt  }
0x61: {  	_ =	shalt  }
0x62: {  	_ =	shalt  }
0x63: {  	_ =	shalt  }
0x64: {  	_ =	shalt  }
0x65: {  	_ =	shalt  }
0x66: {  	_ =	shalt  }
0x67: {  	_ =	shalt  }
0x68: {  	_ =	shalt  }
0x69: {  	_ =	shalt  }
0x6a: {  	_ =	shalt  }
0x6b: {  	_ =	shalt  }
0x6c: {  	_ =	shalt  }
0x6d: {  	_ =	shalt  }
0x6e: {  	_ =	shalt  }
0x6f: {  	_ =	shalt  }
0x70: {  	_ =	shalt  }
0x71: {  	_ =	shalt  }
0x72: {  	_ =	shalt  }
0x73: {  	_ =	shalt  }
0x74: {  	_ =	shalt  }
0x75: {  	_ =	shalt  }
0x76: {  	_ =	shalt  }
0x77: {  	_ =	shalt  }
0x78: {  	_ =	shalt  }
0x79: {  	_ =	shalt  }
0x7a: {  	_ =	shalt  }
0x7b: {  	_ =	shalt  }
0x7c: {  	_ =	shalt  }
0x7d: {  	_ =	shalt  }
0x7e: {  	_ =	shalt  }
0x7f: {  	_ =	shalt  }
0x80: {  	_ =	shalt  }
0x81: {  	_ =	shalt  }
0x82: {  	_ =	shalt  }
0x83: {  	_ =	shalt  }
0x84: {  	_ =	shalt  }
0x85: {  	_ =	shalt  }
0x86: {  	_ =	shalt  }
0x87: {  	_ =	shalt  }
.Lfunc_end0:
.L_simem_size_0:
called_computation_lowered:
.L_overlay_start_0:
0x88: {  	s2 =	sld [smem:$0x3FD9]  }
0x89: {  	s3 =	sld [smem:$0x3FFE];
	_ =	sdelay $0x1  }
0x8a: {  	s1 =	srdreg.scid  }
0x8b: {  	s0 =	sand.u32 $0x1, s1  }
0x8c: {  	s17 =	sshll.u32 s0, $0xA;
	s2 =	sadd.s32 s3, s2  }
0x8d: {  	s2 =	sadd.s32 s2, s17  }
0x8e: {  	[smem:$0x3FC4] =	sst s2  }
0x8f: {  	_ = 	snop  }
0x90: {  	s2 =	sld [smem:$0x3FC9]  }
0x91: {  	s18 =	sld [smem:$0x3FC8]  }
0x92: {  	s4 =	sld [smem:$0x3FD0];
	(tm) =	ssettm $0x1  }
0x93: {  	s5 =	sld [smem:$0x3FFB];
	_ =	sdelay $0x3  }
0x94: {  	_ =	strace s5  }
0x95: {  	s5 =	sld [smem:$0x3FFC];
	_ =	sdelay $0x3  }
0x96: {  	_ =	strace s5  }
0x97: {  	s5 =	sld [smem:$0x3FFD];
	_ =	sdelay $0x3  }
0x98: {  	_ =	strace s5  }
0x99: {  	_ =	strace $0x8FFFFFFF  }
0x9a: {  	s19 =	sld [smem:$0x3FDB];
	_ =	sdelay $0x1  }
0x9b: {  	s6 =	simm.s32 $_scs_section_size  }
0x9c: {  	s7 =	simm.s32 $_size__tile_overlayer_lowered;
	s8 =	simm.s32 $_tile_overlayer_lowered  }
0x9d: {  	s22 =	simm.s32 $0x1BFF;
	s21 =	sshll.u32 s8, $0x1;
	s5 =	sadd.s32 s6, s19  }
0x9e: {  	s9 =	simm.s32 $0x0;
	s20 =	sshll.u32 s7, $0x1;
	s7 =	sadd.s32 s21, s5  }
0x9f: {  	[timem:s9], [sflag:s22] =	dma.local [hbm:s7], s20  }
0xa0: {  	_ =	swait.ge [sflag:s22], s20  }
0xa1: {  	s6 =	ssub.s32 $0x0, s20;
	[sflag:s22] =	ssyncset.done $0x0  }
0xa2: {  	[sflag:s22] =	ssyncadd.s32 s6;
	_ =	sdelay $0x1  }
0xa3: {  	s23 =	simm.s32 $0x1B8B  }
0xa4: {  	_ =	swait.ge [sflag:s23], $0x1  }
0xa5: {  	[sflag:s23] =	ssyncset.done $0x0  }
0xa6: {  	s25 =	simm.s32 $0x1B8E;
	s24 =	sld [smem:$0x3FFE];
	[sflag:s23] =	ssyncadd.s32 $0xFFFFFFFF  }
0xa7: {  	s26 =	simm.s32 $execute0_lowered;
	[smem:$0x3FD2] =	sst s25  }
0xa8: {  	s7 =	sshll.u32 s26, $0x1;
	_ =	strace $0x80000046;
	[dreg:$0x1] =	wrdreg $0xFFFFFFFF  }
0xa9: {  	s28 =	simm.s32 $_size_execute0_lowered;
	s5 =	sadd.s32 s5, s7;
	[dreg:$0x0] =	wrdreg $0x0  }
0xaa: {  	s7 =	sshll.u32 s28, $0x1;
	[dreg:$0x2] =	wrdreg s5  }
0xab: {  	[dreg:$0x3] =	wrdreg s7  }
0xac: {  	[dreg:$0x4] =	wrdreg $0xC0  }
0xad: {  	_ =	task [dreg:s9], $0x5FFFF  }
0xae: {  	[dreg:$0x1] =	wrdreg $0xFFFFFFFF  }
0xaf: {  	[dreg:$0x0] =	wrdreg $0x60  }
0xb0: {  	[dreg:$0x2] =	wrdreg s2  }
0xb1: {  	[dreg:$0x3] =	wrdreg s18  }
0xb2: {  	[dreg:$0x4] =	wrdreg s24  }
0xb3: {  	[dreg:$0x5] =	wrdreg s4  }
0xb4: {  	[dreg:$0x6] =	wrdreg $0x9  }
0xb5: {  	_ =	task.clear_ibuf [dreg:s9], $0x7FFFF;
	_ =	strace $0x90000046  }
0xb6: {  	s29 =	simm.s32 $0x9;
	_ =	strace $0x80000048  }
0xb7: {  	_ =	swait.ge [sflag:s29], $0x1  }
0xb8: {  	[sflag:s29] =	ssyncadd.s32 $0xFFFFFFFF  }
0xb9: {  	_ =	strace $0x90000048  }
0xba: {  	_ =	sfence  }
0xbb: {  	s30 =	sld [smem:$0x0];
	_ =	sdelay $0x2  }
0xbc: {  	s31 =	sshll.u32 s1, $0xD;
	s1 =	sshrl.u32 s1, $0x2  }
0xbd: {  	s3 =	sand.u32 $0x4000, s31;
	s1 =	sadd.s32 s1, s30  }
0xbe: {  	s0 =	sor.u32 s3, s0;
	s1 =	sshll.u32 s1, $0x11  }
0xbf: {  	s0 =	sor.u32 s1, s0  }
0xc0: {  	s0 =	sadd.s32 $0x8F2B, s0  }
0xc1: {  	[sflag:s0] =	ssyncadd.remote.s32 $0x1  }
0xc2: {  	_ =	sfence.sel $0xFFFF  }
0xc3: {  	[dreg:$0x0] =	wrdreg $0xFFFFFFFF;
	(pc) =	sbr.abs _section_cstart, $3  }
0xc4: {  	[dreg:$0x1] =	wrdreg $0xFFFFFFFF  }
0xc5: {  	_ =	task.clear_ibuf [dreg:s9], $0x2FFFF;
	_ =	strace $0x9FFFFFFF  }
0xc6: {  	(tm) =	ssettm $0x7FFFFFFF  }
0xc7: {  	_ =	shalt  }
tec
execute0_lowered:
.L_overlay_start_1:
0x0: {  	(tag) =	ssettag $0x1  }
0x1: {  	s3 =	srdreg.scid;
	s26 =	stileid.u32  }
0x2: {  	s9 =	sand.u32 $0x1, s3;
	s0 =	sshll.u32 s26, $0x1  }
0x3: {  	s5 =	rddreg [dreg:$0x0];
	s23 =	sor.u32 s9, s0  }
0x4: {  	s1 =	simm.s32 $0x15;
	s2 =	ssub.s32 $0x2, s9;
	s17 =	sadd.s32 $0xFFFFFFF8, s23  }
0x5: {  	s0 =	smul.u32 $0x14, s23;
	s6 =	sshrl.u32 s2, $0x1;
	p0 =	slt.s32 s17, $0x10  }
0x6: {  	s3 =	sshll.u32 s3, $0x2;
	s2 =	ssub.s32 s2, s6;
	s17 =	simm.s32 @!p0 $0x10  }
0x7: {  	p0 =	slt.u32 s26, $0xC;
	[smem:$0x7E7] =	sst s2;
	s0 =	sadd.s32 s17, s0  }
0x8: {  	s1 =	simm.s32 @!p0 $0x14;
	s3 =	sadd.s32 s17, s3;
	s22 =	sadd.s32 $0xFFFFFFB8, s0  }
0x9: {  	s3 =	sand.u32 $0x7, s3;
	s0 =	sshrl.u32 s22, $0x3;
	s8 =	sand.u32 $0xFFFFFFF8, s22  }
0xa: {  	s10 =	sadd.s32 s1, s22;
	s3 =	sshll.u32 s3, $0x12;
	s11 =	sadd.s32 $0x8, s8  }
0xb: {  	s14 =	sadd.s32 $0x1, s0;
	s16 =	sadd.s32 $0x2, s0;
	s0 =	sadd.s32 $0x3, s0  }
0xc: {  	s21 =	smin.u32 s10, s11;
	s24 =	sshll.u32 s14, $0x3;
	s13 =	sshll.u32 s16, $0x3  }
0xd: {  	s18 =	sshll.u32 s0, $0x3;
	s14 =	sshll.u32 s14, $0xC;
	s16 =	sshll.u32 s16, $0xC  }
0xe: {  	s0 =	sshll.u32 s0, $0xC;
	s2 =	ssub.s32 s21, s8;
	s25 =	smax.u32 s22, s24  }
0xf: {  	s7 =	sadd.s32 $0x8, s24;
	s15 =	smax.u32 s22, s13;
	s20 =	sadd.s32 $0x8, s18  }
0x10: {  	s6 =	smax.u32 s22, s18;
	[smem:$0x7E5] =	sst s2;
	s4 =	ssub.s32 s25, s24  }
0x11: {  	s8 =	smin.u32 s10, s7;
	s21 =	ssub.s32 s6, s18;
	[smem:$0x7DE] =	sst s4  }
0x12: {  	s12 =	ssub.s32 s8, s24;
	[smem:$0x7E2] =	sst s21;
	p0 =	sle.u32 s8, s25  }
0x13: {  	s25 =	sshll.u32 s9, $0x8;
	[smem:$0x7DF] =	sst s12;
	s12 =	sadd.s32 $0x8, s13  }
0x14: {  	s2 =	simm.s32 @!p0 $0x0;
	s21 =	sadd.s32 s5, s25;
	s19 =	smin.u32 s10, s12  }
0x15: {  	s12 =	ssub.s32 s15, s13;
	s10 =	smin.u32 s10, s20;
	s2 =	simm.s32 @p0 $0x1  }
0x16: {  	[dreg:$0x5] =	wrdreg s21;
	p0 =	slt.u32 s23, $0x3;
	s13 =	ssub.s32 s19, s13  }
0x17: {  	[smem:$0x7F6] =	sst s2;
	s2 =	smul.u32 $0xB, s23;
	p1 =	sle.u32 s19, s15  }
0x18: {  	s24 =	ssub.s32 s10, s18;
	p2 =	sle.u32 s10, s6;
	s4 =	simm.s32 @!p1 $0x0  }
0x19: {  	[smem:$0x7E3] =	sst s24;
	s4 =	simm.s32 @p1 $0x1;
	s18 =	sshrl.u32 s2, $0x3  }
0x1a: {  	s7 =	sand.u32 $0x78, s2;
	s6 =	sadd.s32 $0xB, s2;
	[smem:$0x7F7] =	sst s4  }
0x1b: {  	s19 =	sadd.s32 $0x8, s7;
	s20 =	sadd.s32 $0x1, s18;
	s21 =	sadd.s32 $0x2, s18  }
0x1c: {  	s24 =	smin.u32 s6, s19;
	s8 =	sshll.u32 s20, $0x3;
	p4 =	sle.u32 s19, s2  }
0x1d: {  	s19 =	sshll.u32 s22, $0x9;
	s25 =	ssub.s32 s24, s7;
	s4 =	sadd.s32 $0x8, s8  }
0x1e: {  	s7 =	smax.u32 s2, s8;
	s24 =	sshll.u32 s21, $0x3;
	[smem:$0x7E6] =	sst s25  }
0x1f: {  	s5 =	smin.u32 s6, s4;
	s10 =	ssub.s32 s7, s8;
	s25 =	sadd.s32 $0x8, s24  }
0x20: {  	s4 =	sand.u32 $0x1FFFF000, s14;
	p3 =	sle.u32 s5, s7;
	s15 =	ssub.s32 s5, s8  }
0x21: {  	s5 =	smin.u32 s6, s25;
	s8 =	rddreg [dreg:$0x2];
	s7 =	sand.u32 $0x1FFFF000, s16  }
0x22: {  	s6 =	sadd.s32 $0x400, s8;
	s8 =	sand.u32 $0x1FFFF000, s19;
	s19 =	sand.u32 $0x1FFFF000, s0  }
0x23: {  	s25 =	sadd.s32 s6, s8;
	s8 =	sadd.s32 s6, s4;
	s16 =	sadd.s32 s6, s7  }
0x24: {  	s7 =	sadd.s32 $0x5, s18;
	s4 =	sshll.u32 s2, $0x9;
	[dreg:$0x6] =	wrdreg s25  }
0x25: {  	s0 =	sadd.s32 s6, s19;
	s2 =	smax.u32 s2, s24;
	[dreg:$0x7] =	wrdreg s8  }
0x26: {  	[dreg:$0x8] =	wrdreg s16;
	s7 =	smov.u32 @p0 s20;
	s25 =	sshll.u32 s20, $0xC  }
0x27: {  	[dreg:$0x9] =	wrdreg s0;
	s16 =	sand.u32 $0x3F000, s4;
	p5 =	sle.u32 s5, s2  }
0x28: {  	s4 =	smul.u32 $0x28, s26;
	s0 =	sshll.u32 s9, $0x14;
	s14 =	sand.u32 $0x1FFFF000, s25  }
0x29: {  	s19 =	sadd.s32 s6, s16;
	s16 =	sadd.s32 $0x6, s18;
	s18 =	smul.u32 $0xB, s9  }
0x2a: {  	s7 =	sshll.u32 s7, $0x15;
	[dreg:$0xa] =	wrdreg s19;
	s20 =	sadd.s32 s6, s14  }
0x2b: {  	s16 =	smov.u32 @p0 s21;
	s21 =	sshll.u32 s21, $0xC;
	s14 =	smul.u32 $0x16, s26  }
0x2c: {  	s19 =	ssub.s32 s2, s24;
	s26 =	sshll.u32 s26, $0x15;
	[dreg:$0xb] =	wrdreg s20  }
0x2d: {  	s8 =	sand.u32 $0x1FFFF000, s21;
	s20 =	smul.u32 $0x14, s9;
	s21 =	ssub.s32 s5, s24  }
0x2e: {  	s16 =	sshll.u32 s16, $0x15;
	s25 =	sadd.s32 s6, s8;
	s6 =	sadd.s32 s4, s17  }
0x2f: {  	[dreg:$0xc] =	wrdreg s25;
	s25 =	smin.u32 s23, $0x18;
	s2 =	sadd.s32 s20, s6  }
0x30: {  	s5 =	sadd.s32 s18, s14;
	s8 =	sadd.s32 s4, s25;
	s2 =	sadd.s32 $0xFFFFFFB8, s2  }
0x31: {  	s14 =	sor.u32 s0, s26;
	s8 =	sadd.s32 s20, s8;
	s29 =	sshrl.u32 s2, $0x3  }
0x32: {  	s24 =	sand.u32 $0xFFFFFFF8, s2;
	s8 =	sadd.s32 $0xFFFFFFB0, s8;
	s4 =	sshll.u32 s29, $0x15  }
0x33: {  	s6 =	sand.u32 $0xFFFFFFF8, s8;
	s1 =	sadd.s32 s1, s8;
	s20 =	smov.u32 s8  }
0x34: {  	s3 =	sor.u32 s3, s4;
	s4 =	sadd.s32 $0x10, s24;
	s17 =	sadd.s32 $0x8, s6  }
0x35: {  	s0 =	sadd.s32 $0x10, s6;
	[smem:$0x7E8] =	sst s3;
	s3 =	sadd.s32 $0x18, s24  }
0x36: {  	p0 =	slt.s32 s1, s17;
	s18 =	smov.u32 s17;
	p6 =	sgt.s32 s8, s17  }
0x37: {  	s26 =	smov.u32 s0;
	s18 =	smov.u32 @p0 s1;
	p0 =	sgt.s32 s6, s8  }
0x38: {  	s17 =	smov.u32 @p6 s8;
	s20 =	smov.u32 @p0 s6;
	p0 =	slt.s32 s1, s0  }
0x39: {  	p6 =	sle.u32 s11, s22;
	s11 =	sld [smem:$0x7DF];
	s26 =	smov.u32 @p0 s1  }
0x3a: {  	s25 =	ssub.s32 s18, s20;
	s18 =	ssub.s32 s26, s17;
	s26 =	sadd.s32 $0x8, s24  }
0x3b: {  	s24 =	smax.u32 s2, s3;
	s28 =	smax.u32 s2, s26;
	s26 =	smax.u32 s2, s4  }
0x3c: {  	s17 =	sadd.s32 $0x18, s6;
	s2 =	sshll.u32 s29, $0x6;
	s4 =	sshll.u32 s26, $0x3  }
0x3d: {  	p0 =	slt.s32 s1, s17;
	s20 =	sshll.u32 s28, $0x3;
	s3 =	ssub.s32 s4, s2  }
0x3e: {  	s31 =	ssub.s32 s20, s2;
	s20 =	smov.u32 s17;
	[smem:$0x7E9] =	sst s3  }
0x3f: {  	s20 =	smov.u32 @p0 s1;
	p0 =	sgt.s32 s8, s0;
	s3 =	sadd.s32 $0x20, s6  }
0x40: {  	s4 =	sshll.u32 s24, $0x3;
	s0 =	smov.u32 @p0 s8;
	p0 =	slt.s32 s1, s3  }
0x41: {  	s30 =	ssub.s32 s4, s2;
	s6 =	ssub.s32 s20, s0;
	s3 =	smov.u32 @p0 s1  }
0x42: {  	p0 =	sgt.s32 s8, s17;
	s0 =	sand.u32 $0x3F8, s5;
	s20 =	stileid.u32  }
0x43: {  	s17 =	smov.u32 @p0 s8;
	s8 =	smul.u32 $0x18, s9;
	s9 =	sadd.s32 $0x8, s0  }
0x44: {  	s1 =	sand.u32 $0x78, s5;
	s4 =	ssub.s32 s3, s17;
	s9 =	smax.u32 s5, s9  }
0x45: {  	s3 =	sshll.u32 s20, $0x4;
	s20 =	sshll.u32 s20, $0x16;
	s17 =	sshll.u32 s9, $0x12  }
0x46: {  	s3 =	ssub.s32 s8, s3;
	s8 =	sadd.s32 $0xB, s5;
	s7 =	sadd.s32 s17, s7  }
0x47: {  	s17 =	sand.u32 $0x800000, s20;
	s20 =	sadd.s32 $0x8, s1;
	s1 =	sadd.s32 $0x18, s0  }
0x48: {  	s0 =	sadd.s32 $0x10, s0;
	s3 =	sshll.u32 s3, $0xF;
	s2 =	smin.u32 s8, s20  }
0x49: {  	s29 =	smin.u32 s8, s1;
	s1 =	smin.u32 s8, s0;
	s8 =	smax.u32 s5, s0  }
0x4a: {  	s0 =	sshrl.u32 s5, $0x3;
	s3 =	sand.u32 $0x1C0000, s3;
	s2 =	ssub.s32 s2, s5  }
0x4b: {  	s5 =	sshll.u32 s0, $0x15;
	s20 =	sshll.u32 s8, $0x12;
	s0 =	sshll.u32 s0, $0x6  }
0x4c: {  	s16 =	sadd.s32 s20, s16;
	s17 =	sadd.s32 s5, s17;
	s7 =	ssub.s32 s7, s5  }
0x4d: {  	s20 =	sor.u32 s3, s17;
	s17 =	ssub.s32 s16, s5;
	s5 =	sshll.u32 s9, $0x3  }
0x4e: {  	[smem:$0x7EA] =	sst s7;
	s7 =	sshll.u32 s8, $0x3;
	s5 =	ssub.s32 s5, s0  }
0x4f: {  	s7 =	ssub.s32 s7, s0;
	s0 =	ssub.s32 s1, s9;
	s1 =	ssub.s32 s29, s8  }
0x50: {  	s8 =	sshll.u32 s10, $0x3;
	s9 =	sshll.u32 s15, $0x3;
	s10 =	sshll.u32 s21, $0x3  }
0x51: {  	s15 =	sshll.u32 s12, $0x3;
	s12 =	sshll.u32 s13, $0x3;
	p0 =	sge.s32 @!p3 s8, s9  }
0x52: {  	s13 =	sld [smem:$0x7F6];
	s8 =	sshll.u32 s19, $0x3;
	s3 =	simm.s32 @!p0 $0x0  }
0x53: {  	s3 =	simm.s32 @p0 $0x1;
	p0 =	sge.s32 @!p5 s8, s10;
	s8 =	sld [smem:$0x7DE]  }
0x54: {  	_ = 	snop  }
0x55: {  	s11 =	sshll.u32 s11, $0x3;
	[smem:$0x7EF] =	sst s3;
	s3 =	simm.s32 @!p0 $0x0  }
0x56: {  	s3 =	simm.s32 @p0 $0x1;
	p0 =	seq.s32 s13, $0x1;
	s8 =	sshll.u32 s8, $0x3  }
0x57: {  	p0 =	sge.s32 @!p0 s8, s11  }
0x58: {  	[smem:$0x7F1] =	sst s3;
	s3 =	simm.s32 @!p0 $0x0  }
0x59: {  	s3 =	simm.s32 @p0 $0x1;
	p0 =	sge.s32 @!p1 s15, s12  }
0x5a: {  	[smem:$0x7F5] =	sst s3;
	s3 =	simm.s32 @!p0 $0x0  }
0x5b: {  	s3 =	simm.s32 @p0 $0x1;
	p0 =	sgt.s32 s25, $0x0  }
0x5c: {  	s25 =	simm.s32 @!p0 $0x0;
	p0 =	sgt.s32 s18, $0x0  }
0x5d: {  	[smem:$0x7F9] =	sst s3;
	s3 =	simm.s32 @!p0 $0x0  }
0x5e: {  	s3 =	simm.s32 @p0 $0x1;
	p0 =	sgt.s32 s6, $0x0  }
0x5f: {  	[smem:$0x7E0] =	sst s3;
	s3 =	simm.s32 @!p0 $0x0  }
0x60: {  	s3 =	simm.s32 @p0 $0x1;
	s15 =	sld [smem:$0x7E0]  }
0x61: {  	[smem:$0x7E1] =	sst s3  }
0x62: {  	s16 =	sld [smem:$0x7E1]  }
0x63: {  	[smem:$0x7EB] =	sst s17  }
0x64: {  	s17 =	sld [smem:$0x7E2];
	p0 =	seq.s32 s15, $0x1  }
0x65: {  	s19 =	sld [smem:$0x7E3];
	s18 =	simm.s32 @!p0 $0x0;
	p0 =	seq.s32 s16, $0x1  }
0x66: {  	s13 =	simm.s32 $0x0;
	s6 =	simm.s32 @!p0 $0x0;
	p0 =	sgt.s32 s4, $0x0  }
0x67: {  	[smem:$0x7FF] =	sst s13;
	s4 =	simm.s32 @!p0 $0x0;
	p0 =	sgt.s32 s2, $0x0  }
0x68: {  	s8 =	sshll.u32 s17, $0x3;
	s2 =	simm.s32 @!p0 $0x0;
	p0 =	sgt.s32 s0, $0x0  }
0x69: {  	s17 =	rddreg [dreg:$0x3];
	s0 =	simm.s32 @!p0 $0x0;
	p0 =	sgt.s32 s1, $0x0  }
0x6a: {  	s15 =	rddreg [dreg:$0x1];
	s16 =	sshll.u32 s19, $0x3;
	s3 =	simm.s32 @!p0 $0x0  }
0x6b: {  	s6 =	sshll.u32 s6, $0x3;
	s3 =	simm.s32 @p0 $0x1;
	p0 =	sge.s32 @!p2 s8, s16  }
0x6c: {  	s6 =	smax.u32 s6, $0x1;
	[smem:$0x7E4] =	sst s3;
	s3 =	simm.s32 @!p0 $0x0  }
0x6d: {  	s4 =	sshll.u32 s4, $0x3;
	s3 =	simm.s32 @p0 $0x1;
	s21 =	sld [smem:$0x7E4]  }
0x6e: {  	s6 =	ssub.s32 $0x0, s6;
	s4 =	smax.u32 s4, $0x1;
	[smem:$0x7FB] =	sst s3  }
0x6f: {  	s4 =	ssub.s32 $0x0, s4;
	_ =	strace $0x80000047;
	[dreg:$0x18] =	wrdreg s6  }
0x70: {  	s2 =	sshll.u32 s2, $0x3;
	s0 =	sshll.u32 s0, $0x3;
	[dreg:$0x19] =	wrdreg s4  }
0x71: {  	s0 =	smax.u32 s0, $0x1;
	[dreg:$0x1d] =	wrdreg s2  }
0x72: {  	s3 =	sshll.u32 s22, $0x3;
	s22 =	sadd.s32 $0xA00000, s14;
	[smem:$0x7EC] =	sst s0  }
0x73: {  	s8 =	sshrl.u32 s22, $0x3;
	p0 =	seq.s32 s21, $0x1;
	s19 =	sld [smem:$0x7E5]  }
0x74: {  	s21 =	smul.u32 $0x18, s23;
	s23 =	sand.u32 $0x38, s3;
	s22 =	sld [smem:$0x7E7]  }
0x75: {  	s3 =	sadd.s32 s17, s8;
	s8 =	sshll.u32 s28, $0x12;
	s28 =	sld [smem:$0x7E8]  }
0x76: {  	[dreg:$0xd] =	wrdreg s23  }
0x77: {  	s8 =	sadd.s32 $0x800000, s8;
	s29 =	sand.u32 $0x38, s21;
	s21 =	sld [smem:$0x7E6]  }
0x78: {  	[dreg:$0x10] =	wrdreg s8;
	s8 =	sshll.u32 s25, $0x3;
	s25 =	sadd.s32 $0xFFFFFFC0, s31  }
0x79: {  	[dreg:$0x11] =	wrdreg s25  }
0x7a: {  	s26 =	sshll.u32 s26, $0x12;
	s28 =	sadd.s32 $0x800000, s28;
	[dreg:$0xe] =	wrdreg s29  }
0x7b: {  	s1 =	simm.s32 @!p0 $0x0;
	s25 =	sadd.s32 $0x800000, s26;
	[dreg:$0xf] =	wrdreg s28  }
0x7c: {  	s1 =	sshll.u32 s1, $0x3;
	s8 =	smax.u32 s8, $0x1;
	[dreg:$0x13] =	wrdreg s25  }
0x7d: {  	s26 =	sshll.u32 s18, $0x3;
	s8 =	ssub.s32 $0x0, s8;
	s25 =	sld [smem:$0x7E9]  }
0x7e: {  	s6 =	smax.u32 s1, $0x1;
	[dreg:$0x12] =	wrdreg s8;
	s8 =	smax.u32 s26, $0x1  }
0x7f: {  	[smem:$0x7ED] =	sst s6;
	s26 =	sshll.u32 s24, $0x12;
	s8 =	ssub.s32 $0x0, s8  }
0x80: {  	s24 =	sadd.s32 $0x800000, s26;
	s26 =	sadd.s32 $0xA08000, s14;
	[dreg:$0x15] =	wrdreg s8  }
0x81: {  	s20 =	sshrl.u32 s20, $0x3;
	[dreg:$0x16] =	wrdreg s24;
	s8 =	sshrl.u32 s26, $0x3  }
0x82: {  	s26 =	sadd.s32 $0xFFFFFFC0, s5;
	s5 =	sadd.s32 $0xFFFFFF80, s7;
	s7 =	sld [smem:$0x7EF]  }
0x83: {  	s18 =	sadd.s32 $0xFFFFFF80, s25;
	s24 =	sadd.s32 s20, s17;
	s20 =	sld [smem:$0x7F6]  }
0x84: {  	s25 =	sadd.s32 $0xFFFFFF40, s30;
	[dreg:$0x14] =	wrdreg s18  }
0x85: {  	s21 =	sshll.u32 s21, $0x3;
	[dreg:$0x17] =	wrdreg s25  }
0x86: {  	p0 =	sge.s32 @!p4 s29, s21;
	[dreg:$0x1a] =	wrdreg s24  }
0x87: {  	s19 =	sshll.u32 s19, $0x3;
	p0 =	por p4, p0;
	s25 =	sld [smem:$0x7EA]  }
0x88: {  	[dreg:$0x1c] =	wrdreg s26;
	s0 =	simm.s32 @!p0 $0x0;
	p1 =	seq.s32 s7, $0x1  }
0x89: {  	[dreg:$0x1f] =	wrdreg s5;
	s0 =	simm.s32 @p0 $0x1;
	p0 =	por p3, p1  }
0x8a: {  	s30 =	sadd.s32 s8, s17;
	[smem:$0x7EE] =	sst s0;
	s0 =	simm.s32 @!p0 $0x0  }
0x8b: {  	s8 =	sld [smem:$0x7F1];
	s0 =	simm.s32 @p0 $0x1;
	p0 =	sge.s32 @!p6 s23, s19  }
0x8c: {  	[smem:$0x7F0] =	sst s0;
	s0 =	simm.s32 @!p0 $0x0  }
0x8d: {  	s22 =	smax.u32 s22, $0x1;
	s24 =	sld [smem:$0x7F9];
	s0 =	simm.s32 @p0 $0x1  }
0x8e: {  	s6 =	simm.s32 $0x6800;
	s14 =	sadd.s32 $0xA0C000, s14;
	[smem:$0x7F3] =	sst s0  }
0x8f: {  	s28 =	simm.s32 $0x0;
	s18 =	sshrl.u32 s14, $0x3;
	s14 =	sld [smem:$0x7F3]  }
0x90: {  	s31 =	sadd.s32 s18, s17;
	s18 =	sld [smem:$0x7F5];
	p1 =	seq.s32 s8, $0x1  }
0x91: {  	s4 =	sadd.s32 $0xFFE00000, s25;
	s25 =	sld [smem:$0x7FB];
	p0 =	por p5, p1  }
0x92: {  	[dreg:$0x1b] =	wrdreg s4;
	s0 =	simm.s32 @!p0 $0x0;
	p1 =	seq.s32 s14, $0x1  }
0x93: {  	s23 =	sld [smem:$0x7F7];
	s0 =	simm.s32 @p0 $0x1;
	p0 =	por p6, p1  }
0x94: {  	s29 =	simm.s32 $0xA800;
	[smem:$0x7F2] =	sst s0;
	s0 =	simm.s32 @!p0 $0x0  }
0x95: {  	p1 =	seq.s32 s20, $0x1;
	s0 =	simm.s32 @p0 $0x1;
	p0 =	seq.s32 s18, $0x1  }
0x96: {  	s26 =	stileid.u32;
	s4 =	sld [smem:$0x7EB];
	p0 =	por p1, p0  }
0x97: {  	s5 =	simm.s32 $0x2800;
	[smem:$0x7F4] =	sst s0;
	s0 =	simm.s32 @!p0 $0x0  }
0x98: {  	p1 =	seq.s32 s23, $0x1;
	s0 =	simm.s32 @p0 $0x1;
	p0 =	seq.s32 s24, $0x1  }
0x99: {  	s7 =	simm.s32 $0x1;
	s8 =	simm.s32 $0x2;
	p0 =	por p1, p0  }
0x9a: {  	s2 =	sadd.s32 $0xFFC00000, s4;
	[smem:$0x7F8] =	sst s0;
	s0 =	simm.s32 @!p0 $0x0  }
0x9b: {  	s4 =	simm.s32 $0x80;
	s0 =	simm.s32 @p0 $0x1;
	p0 =	seq.s32 s25, $0x1  }
0x9c: {  	[dreg:$0x1e] =	wrdreg s2;
	s2 =	sadd.s32 $0x800, s3;
	p0 =	por p2, p0  }
.Ltmp0:
0x9d: {  	v3 =	vlaneseq.u32;
	[smem:$0x7FA] =	sst s0;
	s0 =	simm.s32 @!p0 $0x0;
	(pc) =	sbr.rel .LBB2_1-.Ltmp0, $4  }
0x9e: {  	v0 =	vshrl.u32 v3, $0x3;
	s14 =	simm.s32 $0x12800;
	s0 =	simm.s32 @p0 $0x1;
	p0 =	sgt.u32 s26, $0x3  }
0x9f: {  	v0 =	vmul.u32 $0x4, v0;
	s24 =	simm.s32 $0x3;
	s25 =	simm.s32 $0x4;
	s1 =	simm.s32 @!p0 $0x0  }
0xa0: {  	v1 =	vmov s26;
	s26 =	simm.s32 $0x5;
	[smem:$0x7FC] =	sst s0;
	s1 =	simm.s32 @p0 $0x1  }
0xa1: {  	v2 =	vand.u32 $0x7, v3;
	v3 =	vor.u32 $0x8, v3;
	v4 =	vor.u32 $0x8, v0;
	[smem:$0x7FD] =	sst s1;
	s1 =	smov.u32 s3;
	s3 =	simm.s32 $0x6  }
.LBB2_60:
0xa2: {  	[sflag:s26] =	ssyncadd.s32 $0xFFFF8000  }
.LBB2_61:
0xa3: {  	s28 =	sadd.s32 $0x1, s28  }
0xa4: {  	p0 =	sne.s32 s28, s22  }
.Ltmp1:
0xa5: {  	_ = 	snop;
	(pc) =	sbr.rel @!p0 .LBB2_62-.Ltmp1, $1  }
0xa6: {  	_ =	sdelay $0x3  }
.LBB2_1:
0xa7: {  	s0 =	sld [smem:$0x7FD];
	_ =	sdelay $0x2  }
0xa8: {  	p0 =	seq.s32 s0, $0x1  }
.Ltmp2:
0xa9: {  	_ = 	snop;
	(pc) =	sbr.rel @p0 .LBB2_29-.Ltmp2, $1  }
0xaa: {  	_ =	sdelay $0x3  }
0xab: {  	s0 =	simm.s32 $0x0;
	s18 =	rddreg [dreg:$0x5]  }
0xac: {  	[tilespmem:s0], [sflag:$0x6] =	stream.linear.gather [hbm4b:s18+s0], $0x800, $0x38;
	[tilespmem:$0x1A800] =	vst v63  }
0xad: {  	_ =	swait.ge [sflag:s3], $0x800  }
0xae: {  	[sflag:s3] =	ssyncset.done $0x0  }
0xaf: {  	s23 =	simm.s32 $0x0;
	[sflag:s3] =	ssyncadd.s32 $0xFFFFF800  }
0xb0: {  	v5 =	vld [tilespmem:s23+$0x0];
	_ =	sdelay $0x4  }
0xb1: {  	v5 =	vshll.u32 v5, $0x4  }
0xb2: {  	v5 =	vor.u32 v1, v5  }
0xb3: {  	v6 =	vperm.xlane v5, v2;
	_ =	sdelay $0x1  }
0xb4: {  	s0 =	simm.s32 $0x820;
	v5 =	vperm.xlane v5, v3;
	v7 =	vadd.s32 v0, v6  }
0xb5: {  	v6 =	vadd.s32 v4, v6;
	[tilespmem:s0+$0xFFFFFFE0] =	vst v7  }
0xb6: {  	v7 =	vadd.s32 v0, v5;
	[tilespmem:s0+$0xFFFFFFF0] =	vst v6  }
0xb7: {  	v5 =	vadd.s32 v4, v5;
	[tilespmem:s0+$0x0] =	vst v7  }
0xb8: {  	s20 =	simm.s32 $0x10;
	s18 =	simm.s32 $0x80;
	[tilespmem:s0+$0x10] =	vst v5  }
.LBB2_3:
0xb9: {  	p0 =	sne.s32 s18, $0x1FC0;
	v5 =	vld [tilespmem:s20+$0x0];
	_ =	sdelay $0x4  }
0xba: {  	v5 =	vshll.u32 v5, $0x4  }
0xbb: {  	v5 =	vor.u32 v1, v5  }
0xbc: {  	v6 =	vperm.xlane v5, v2;
	v5 =	vperm.xlane v5, v3;
	_ =	sdelay $0x1  }
.Ltmp3:
0xbd: {  	s0 =	sadd.s32 $0x40, s0;
	v7 =	vadd.s32 v0, v6;
	v6 =	vadd.s32 v4, v6;
	v8 =	vadd.s32 v0, v5;
	(pc) =	sbr.rel @p0 .LBB2_3-.Ltmp3, $4  }
0xbe: {  	v5 =	vadd.s32 v4, v5;
	[tilespmem:s0+$0xFFFFFFE0] =	vst v7  }
0xbf: {  	[tilespmem:s0+$0xFFFFFFF0] =	vst v6  }
0xc0: {  	[tilespmem:s0+$0x0] =	vst v8  }
0xc1: {  	s20 =	sshra.s32 s18, $0x2;
	s18 =	sadd.s32 $0x40, s18;
	[tilespmem:s0+$0x10] =	vst v5  }
0xc2: {  	v5 =	vld [tilespmem:s20+$0x0];
	_ =	sdelay $0x4  }
0xc3: {  	v5 =	vshll.u32 v5, $0x4  }
0xc4: {  	v5 =	vor.u32 v1, v5  }
0xc5: {  	v6 =	vperm.xlane v5, v2;
	_ =	sdelay $0x1  }
0xc6: {  	s0 =	sadd.s32 $0x40, s0;
	v5 =	vperm.xlane v5, v3;
	v7 =	vadd.s32 v0, v6  }
0xc7: {  	v6 =	vadd.s32 v4, v6;
	[tilespmem:s0+$0xFFFFFFE0] =	vst v7  }
0xc8: {  	v7 =	vadd.s32 v0, v5;
	[tilespmem:s0+$0xFFFFFFF0] =	vst v6  }
0xc9: {  	v5 =	vadd.s32 v4, v5;
	[tilespmem:s0+$0x0] =	vst v7  }
0xca: {  	s18 =	simm.s32 $0x800;
	[tilespmem:s0+$0x10] =	vst v5  }
0xcb: {  	[tilespmem:s5], [sflag:$0x1] =	stream.indirect.gather [hbm4b:s15+s4], $0x80, s18, s4, $0xb8;
	[tilespmem:$0x1A800] =	vst v63  }
0xcc: {  	s20 =	simm.s32 $0x880  }
0xcd: {  	[tilespmem:s6], [sflag:$0x2] =	stream.indirect.gather [hbm4b:s15+s4], $0x80, s20, s4, $0xb8;
	[tilespmem:$0x1A800] =	vst v63  }
0xce: {  	_ =	swait.ge [sflag:s7], $0x4000  }
0xcf: {  	[sflag:s7] =	ssyncset.done $0x0  }
0xd0: {  	s23 =	simm.s32 $0x0;
	[sflag:s7] =	ssyncadd.s32 $0xFFFFC000  }
0xd1: {  	[hbm4b:s1+s23] =	stream.linear.scatter [tilespmem:s5], [sflag:$0x3], $0x4000, $0x38;
	[tilespmem:$0x1A800] =	vst v63  }
0xd2: {  	_ =	swait.ge [sflag:s8], $0x4000  }
0xd3: {  	[sflag:s8] =	ssyncset.done $0x0  }
0xd4: {  	[sflag:s8] =	ssyncadd.s32 $0xFFFFC000  }
0xd5: {  	[hbm4b:s2+s23] =	stream.linear.scatter [tilespmem:s6], [sflag:$0x4], $0x4000, $0x38;
	[tilespmem:$0x1A800] =	vst v63  }
0xd6: {  	_ =	swait.ge [sflag:s24], $0x4000  }
0xd7: {  	[sflag:s24] =	ssyncset.done $0x0  }
0xd8: {  	[sflag:s24] =	ssyncadd.s32 $0xFFFFC000  }
0xd9: {  	_ =	swait.ge [sflag:s25], $0x4000  }
0xda: {  	[sflag:s25] =	ssyncset.done $0x0  }
0xdb: {  	s18 =	simm.s32 $0x900;
	[sflag:s25] =	ssyncadd.s32 $0xFFFFC000  }
0xdc: {  	[tilespmem:s5], [sflag:$0x1] =	stream.indirect.gather [hbm4b:s15+s4], $0x80, s18, s4, $0xb8;
	[tilespmem:$0x1A800] =	vst v63  }
0xdd: {  	s20 =	simm.s32 $0x980  }
0xde: {  	[tilespmem:s6], [sflag:$0x2] =	stream.indirect.gather [hbm4b:s15+s4], $0x80, s20, s4, $0xb8;
	[tilespmem:$0x1A800] =	vst v63  }
0xdf: {  	_ =	swait.ge [sflag:s7], $0x4000  }
0xe0: {  	[sflag:s7] =	ssyncset.done $0x0  }
0xe1: {  	s23 =	sadd.s32 $0x0, s30;
	[sflag:s7] =	ssyncadd.s32 $0xFFFFC000  }
0xe2: {  	[hbm4b:s23+s13] =	stream.linear.scatter [tilespmem:s5], [sflag:$0x3], $0x4000, $0x38;
	[tilespmem:$0x1A800] =	vst v63  }
0xe3: {  	_ =	swait.ge [sflag:s8], $0x4000  }
0xe4: {  	s0 =	simm.s32 $0x1000;
	[sflag:s8] =	ssyncset.done $0x0  }
0xe5: {  	s18 =	simm.s32 $0xA00;
	s20 =	sadd.s32 $0x0, s31;
	[sflag:s8] =	ssyncadd.s32 $0xFFFFC000  }
.LBB2_5:
0xe6: {  	[hbm4b:s20+s13] =	stream.linear.scatter [tilespmem:s6], [sflag:$0x4], $0x4000, $0x38;
	[tilespmem:$0x1A800] =	vst v63  }
0xe7: {  	s20 =	smov.u32 s0  }
0xe8: {  	p0 =	sne.s32 s0, $0x1E000;
	s0 =	sadd.s32 $0x1000, s0;
	_ =	swait.ge [sflag:s24], $0x4000  }
0xe9: {  	[sflag:s24] =	ssyncset.done $0x0  }
0xea: {  	[sflag:s24] =	ssyncadd.s32 $0xFFFFC000  }
0xeb: {  	_ =	swait.ge [sflag:s25], $0x4000  }
0xec: {  	[sflag:s25] =	ssyncset.done $0x0  }
0xed: {  	[sflag:s25] =	ssyncadd.s32 $0xFFFFC000  }
0xee: {  	[tilespmem:s5], [sflag:$0x1] =	stream.indirect.gather [hbm4b:s15+s4], $0x80, s18, s4, $0xb8;
	[tilespmem:$0x1A800] =	vst v63  }
0xef: {  	s23 =	sadd.s32 $0x80, s18  }
0xf0: {  	[tilespmem:s6], [sflag:$0x2] =	stream.indirect.gather [hbm4b:s15+s4], $0x80, s23, s4, $0xb8;
	[tilespmem:$0x1A800] =	vst v63  }
0xf1: {  	_ =	swait.ge [sflag:s7], $0x4000  }
0xf2: {  	[sflag:s7] =	ssyncset.done $0x0  }
.Ltmp4:
0xf3: {  	s23 =	sadd.s32 s20, s30;
	[sflag:s7] =	ssyncadd.s32 $0xFFFFC000;
	(pc) =	sbr.rel @p0 .LBB2_5-.Ltmp4, $4  }
0xf4: {  	[hbm4b:s23+s13] =	stream.linear.scatter [tilespmem:s5], [sflag:$0x3], $0x4000, $0x38;
	[tilespmem:$0x1A800] =	vst v63  }
0xf5: {  	_ =	swait.ge [sflag:s8], $0x4000  }
0xf6: {  	[sflag:s8] =	ssyncset.done $0x0  }
0xf7: {  	s18 =	sadd.s32 $0x100, s18;
	s20 =	sadd.s32 s20, s31;
	[sflag:s8] =	ssyncadd.s32 $0xFFFFC000  }
0xf8: {  	[hbm4b:s20+s13] =	stream.linear.scatter [tilespmem:s6], [sflag:$0x4], $0x4000, $0x38;
	[tilespmem:$0x1A800] =	vst v63  }
0xf9: {  	_ =	swait.ge [sflag:s24], $0x4000  }
0xfa: {  	[sflag:s24] =	ssyncset.done $0x0  }
0xfb: {  	[sflag:s24] =	ssyncadd.s32 $0xFFFFC000  }
0xfc: {  	_ =	swait.ge [sflag:s25], $0x4000  }
0xfd: {  	s0 =	simm.s32 @!p4 $0x0;
	[sflag:s25] =	ssyncset.done $0x0  }
0xfe: {  	s18 =	simm.s32 @!p4 $0xA800;
	s20 =	rddreg [dreg:$0xa];
	[sflag:s25] =	ssyncadd.s32 $0xFFFFC000  }
0xff: {  	[tilespmem:s18], [sflag:$0x6] =	stream.linear.gather @!p4 [hbm4b:s20+s0], $0x8000, $0x38;
	[tilespmem:$0x1A800] =	vst v63  }
0x100: {  	s0 =	simm.s32 @!p4 $0x6  }
0x101: {  	_ =	swait.ge @!p4 [sflag:s0], $0x8000  }
0x102: {  	s23 =	sld [smem:$0x7EE];
	_ =	sdelay $0x2  }
0x103: {  	p0 =	seq.s32 s23, $0x1  }
.Ltmp5:
0x104: {  	_ = 	snop;
	(pc) =	sbr.rel @p0 .LBB2_9-.Ltmp5, $3  }
0x105: {  	_ =	sdelay $0x1  }
0x106: {  	[sflag:s0] =	ssyncset.done @!p4 $0x0  }
0x107: {  	[sflag:s0] =	ssyncadd.s32 @!p4 $0xFFFF8000  }
0x108: {  	s0 =	rddreg [dreg:$0xe]  }
0x109: {  	s0 =	sadd.s32 $0x1, s0  }
0x10a: {  	p0 =	slt.s32 s0, s21  }
.Ltmp6:
0x10b: {  	_ = 	snop;
	(pc) =	sbr.rel @!p0 .LBB2_9-.Ltmp6, $3  }
0x10c: {  	_ =	sdelay $0x1  }
0x10d: {  	s18 =	rddreg [dreg:$0x1a]  }
0x10e: {  	[hbm4b:s18+s13] =	stream.linear.scatter [tilespmem:s29], [sflag:$0x5], $0x8000, $0x38;
	[tilespmem:$0x1A800] =	vst v63  }
.LBB2_8:
0x10f: {  	s0 =	sadd.s32 $0x1, s0  }
0x110: {  	p0 =	slt.s32 s0, s21  }
.Ltmp7:
0x111: {  	_ = 	snop;
	(pc) =	sbr.rel @p0 .LBB2_8-.Ltmp7, $3  }
0x112: {  	_ = 	snop  }
0x113: {  	s18 =	sadd.s32 $0x1000, s18;
	_ =	sdelay $0x1  }
0x114: {  	[hbm4b:s18+s13] =	stream.linear.scatter [tilespmem:s29], [sflag:$0x5], $0x8000, $0x38;
	[tilespmem:$0x1A800] =	vst v63  }
.LBB2_9:
0x115: {  	s0 =	simm.s32 @!p3 $0x0;
	s18 =	simm.s32 @!p3 $0x12800;
	s20 =	rddreg [dreg:$0xb]  }
0x116: {  	[tilespmem:s18], [sflag:$0x6] =	stream.linear.gather @!p3 [hbm4b:s20+s0], $0x8000, $0x38;
	[tilespmem:$0x1A800] =	vst v63  }
0x117: {  	s0 =	simm.s32 @!p3 $0x6  }
0x118: {  	_ =	swait.ge @!p3 [sflag:s0], $0x8000  }
0x119: {  	s23 =	sld [smem:$0x7F0];
	_ =	sdelay $0x2  }
0x11a: {  	p0 =	seq.s32 s23, $0x1  }
.Ltmp8:
0x11b: {  	_ = 	snop;
	(pc) =	sbr.rel @p0 .LBB2_13-.Ltmp8, $3  }
0x11c: {  	_ =	sdelay $0x1  }
0x11d: {  	[sflag:s0] =	ssyncset.done @!p3 $0x0  }
0x11e: {  	[sflag:s0] =	ssyncadd.s32 @!p3 $0xFFFF8000  }
0x11f: {  	s0 =	rddreg [dreg:$0x1c]  }
0x120: {  	s0 =	sadd.s32 $0x1, s0  }
0x121: {  	p0 =	slt.s32 s0, s9  }
.Ltmp9:
0x122: {  	_ = 	snop;
	(pc) =	sbr.rel @!p0 .LBB2_12-.Ltmp9, $4  }
0x123: {  	_ = 	snop  }
0x124: {  	s23 =	rddreg [dreg:$0x1b]  }
0x125: {  	s18 =	sshrl.u32 s23, $0x3  }
0x126: {  	s20 =	sadd.s32 s17, s18;
	s18 =	sadd.s32 $0x8000, s23  }
.LBB2_11:
0x127: {  	[hbm4b:s20+s13] =	stream.linear.scatter [tilespmem:s14], [sflag:$0x5], $0x8000, $0x38;
	[tilespmem:$0x1A800] =	vst v63  }
0x128: {  	s0 =	sadd.s32 $0x1, s0  }
0x129: {  	p0 =	slt.s32 s0, s9  }
.Ltmp10:
0x12a: {  	(pc) =	sbr.rel @p0 .LBB2_11-.Ltmp10, $3  }
0x12b: {  	_ =	sdelay $0x1  }
0x12c: {  	s20 =	sshrl.u32 s18, $0x3  }
0x12d: {  	s18 =	sadd.s32 $0x8000, s18;
	s20 =	sadd.s32 s17, s20  }
.LBB2_12:
0x12e: {  	[hbm4b:s20+s13] =	stream.linear.scatter [tilespmem:s14], [sflag:$0x5], $0x8000, $0x38;
	[tilespmem:$0x1A800] =	vst v63  }
.LBB2_13:
.Ltmp11:
0x12f: {  	(pc) =	sbr.rel @p4 .LBB2_17-.Ltmp11, $1  }
0x130: {  	_ =	sdelay $0x3  }
0x131: {  	s0 =	rddreg [dreg:$0x1d]  }
0x132: {  	p0 =	sne.s32 s0, $0x1  }
.Ltmp12:
0x133: {  	_ = 	snop;
	(pc) =	sbr.rel @!p0 .LBB2_16-.Ltmp12, $3  }
0x134: {  	_ =	sdelay $0x1  }
0x135: {  	_ =	swait.ge [sflag:s26], $0x8000  }
0x136: {  	s0 =	sadd.s32 $0xFFFFFFFF, s0;
	[sflag:s26] =	ssyncset.done $0x0  }
.LBB2_15:
0x137: {  	p0 =	sne.s32 s0, $0x1;
	s0 =	sadd.s32 $0xFFFFFFFF, s0;
	[sflag:s26] =	ssyncadd.s32 $0xFFFF8000  }
.Ltmp13:
0x138: {  	(pc) =	sbr.rel @p0 .LBB2_15-.Ltmp13, $3  }
0x139: {  	_ =	sdelay $0x1  }
0x13a: {  	_ =	swait.ge [sflag:s26], $0x8000  }
0x13b: {  	[sflag:s26] =	ssyncset.done $0x0  }
.LBB2_16:
0x13c: {  	[sflag:s26] =	ssyncadd.s32 $0xFFFF8000  }
.LBB2_17:
0x13d: {  	s0 =	simm.s32 @!p5 $0x0;
	s18 =	simm.s32 @!p5 $0xA800;
	s20 =	rddreg [dreg:$0xc]  }
0x13e: {  	[tilespmem:s18], [sflag:$0x6] =	stream.linear.gather @!p5 [hbm4b:s20+s0], $0x8000, $0x38;
	[tilespmem:$0x1A800] =	vst v63  }
0x13f: {  	s0 =	simm.s32 @!p5 $0x6  }
0x140: {  	_ =	swait.ge @!p5 [sflag:s0], $0x8000  }
0x141: {  	s23 =	sld [smem:$0x7F2];
	_ =	sdelay $0x2  }
0x142: {  	p0 =	seq.s32 s23, $0x1  }
.Ltmp14:
0x143: {  	_ = 	snop;
	(pc) =	sbr.rel @p0 .LBB2_21-.Ltmp14, $3  }
0x144: {  	_ =	sdelay $0x1  }
0x145: {  	[sflag:s0] =	ssyncset.done @!p5 $0x0  }
0x146: {  	[sflag:s0] =	ssyncadd.s32 @!p5 $0xFFFF8000  }
0x147: {  	s0 =	rddreg [dreg:$0x1f]  }
0x148: {  	s0 =	sadd.s32 $0x1, s0  }
0x149: {  	p0 =	slt.s32 s0, s10  }
.Ltmp15:
0x14a: {  	_ = 	snop;
	(pc) =	sbr.rel @!p0 .LBB2_20-.Ltmp15, $4  }
0x14b: {  	_ = 	snop  }
0x14c: {  	s23 =	rddreg [dreg:$0x1e]  }
0x14d: {  	s18 =	sshrl.u32 s23, $0x3  }
0x14e: {  	s20 =	sadd.s32 s17, s18;
	s18 =	sadd.s32 $0x8000, s23  }
.LBB2_19:
0x14f: {  	[hbm4b:s20+s13] =	stream.linear.scatter [tilespmem:s29], [sflag:$0x5], $0x8000, $0x38;
	[tilespmem:$0x1A800] =	vst v63  }
0x150: {  	s0 =	sadd.s32 $0x1, s0  }
0x151: {  	p0 =	slt.s32 s0, s10  }
.Ltmp16:
0x152: {  	(pc) =	sbr.rel @p0 .LBB2_19-.Ltmp16, $3  }
0x153: {  	_ =	sdelay $0x1  }
0x154: {  	s20 =	sshrl.u32 s18, $0x3  }
0x155: {  	s18 =	sadd.s32 $0x8000, s18;
	s20 =	sadd.s32 s17, s20  }
.LBB2_20:
0x156: {  	[hbm4b:s20+s13] =	stream.linear.scatter [tilespmem:s29], [sflag:$0x5], $0x8000, $0x38;
	[tilespmem:$0x1A800] =	vst v63  }
.LBB2_21:
.Ltmp17:
0x157: {  	(pc) =	sbr.rel @p3 .LBB2_25-.Ltmp17, $1  }
0x158: {  	_ =	sdelay $0x3  }
0x159: {  	s0 =	sld [smem:$0x7EC];
	_ =	sdelay $0x2  }
0x15a: {  	p0 =	sne.s32 s0, $0x1  }
.Ltmp18:
0x15b: {  	_ = 	snop;
	(pc) =	sbr.rel @!p0 .LBB2_24-.Ltmp18, $3  }
0x15c: {  	_ =	sdelay $0x1  }
0x15d: {  	_ =	swait.ge [sflag:s26], $0x8000  }
0x15e: {  	[sflag:s26] =	ssyncset.done $0x0;
	s0 =	sadd.s32 $0xFFFFFFFF, s0  }
.LBB2_23:
0x15f: {  	p0 =	sne.s32 s0, $0x1;
	s0 =	sadd.s32 $0xFFFFFFFF, s0;
	[sflag:s26] =	ssyncadd.s32 $0xFFFF8000  }
.Ltmp19:
0x160: {  	(pc) =	sbr.rel @p0 .LBB2_23-.Ltmp19, $3  }
0x161: {  	_ =	sdelay $0x1  }
0x162: {  	_ =	swait.ge [sflag:s26], $0x8000  }
0x163: {  	[sflag:s26] =	ssyncset.done $0x0  }
.LBB2_24:
0x164: {  	[sflag:s26] =	ssyncadd.s32 $0xFFFF8000  }
.LBB2_25:
.Ltmp20:
0x165: {  	(pc) =	sbr.rel @p5 .LBB2_61-.Ltmp20, $1  }
0x166: {  	_ =	sdelay $0x3  }
0x167: {  	s0 =	sld [smem:$0x7ED];
	_ =	sdelay $0x2  }
0x168: {  	p0 =	seq.s32 s0, $0x1  }
.Ltmp21:
0x169: {  	_ = 	snop;
	(pc) =	sbr.rel @p0 .LBB2_28-.Ltmp21, $3  }
0x16a: {  	_ =	sdelay $0x1  }
0x16b: {  	_ =	swait.ge [sflag:s26], $0x8000  }
0x16c: {  	[sflag:s26] =	ssyncset.done $0x0;
	s0 =	sadd.s32 $0xFFFFFFFF, s0  }
.LBB2_27:
0x16d: {  	p0 =	seq.s32 s0, $0x1;
	s0 =	sadd.s32 $0xFFFFFFFF, s0;
	[sflag:s26] =	ssyncadd.s32 $0xFFFF8000  }
.Ltmp22:
0x16e: {  	(pc) =	sbr.rel @!p0 .LBB2_27-.Ltmp22, $3  }
0x16f: {  	_ =	sdelay $0x1  }
0x170: {  	_ =	swait.ge [sflag:s26], $0x8000  }
0x171: {  	[sflag:s26] =	ssyncset.done $0x0  }
.LBB2_28:
.Ltmp23:
0x172: {  	(pc) =	sbr.rel .LBB2_61-.Ltmp23, $2  }
0x173: {  	_ =	sdelay $0x2  }
0x174: {  	[sflag:s26] =	ssyncadd.s32 $0xFFFF8000  }
.LBB2_29:
0x175: {  	s0 =	simm.s32 @!p6 $0x0;
	s18 =	simm.s32 @!p6 $0xA800;
	s20 =	rddreg [dreg:$0x6]  }
0x176: {  	[tilespmem:s18], [sflag:$0x6] =	stream.linear.gather @!p6 [hbm4b:s20+s0], $0x8000, $0x38;
	[tilespmem:$0x1A800] =	vst v63  }
0x177: {  	s0 =	simm.s32 @!p6 $0x6  }
0x178: {  	_ =	swait.ge @!p6 [sflag:s0], $0x8000  }
0x179: {  	s23 =	sld [smem:$0x7F4];
	_ =	sdelay $0x2  }
0x17a: {  	p0 =	seq.s32 s23, $0x1  }
.Ltmp24:
0x17b: {  	_ = 	snop;
	(pc) =	sbr.rel @p0 .LBB2_33-.Ltmp24, $3  }
0x17c: {  	_ =	sdelay $0x1  }
0x17d: {  	[sflag:s0] =	ssyncset.done @!p6 $0x0  }
0x17e: {  	[sflag:s0] =	ssyncadd.s32 @!p6 $0xFFFF8000  }
0x17f: {  	s0 =	rddreg [dreg:$0xd]  }
0x180: {  	s0 =	sadd.s32 $0x1, s0  }
0x181: {  	p0 =	slt.s32 s0, s19  }
.Ltmp25:
0x182: {  	_ = 	snop;
	(pc) =	sbr.rel @!p0 .LBB2_32-.Ltmp25, $4  }
0x183: {  	_ = 	snop  }
0x184: {  	s23 =	rddreg [dreg:$0xf]  }
0x185: {  	s18 =	sshrl.u32 s23, $0x3  }
0x186: {  	s20 =	sadd.s32 s17, s18;
	s18 =	sadd.s32 $0x8000, s23  }
.LBB2_31:
0x187: {  	[hbm4b:s20+s13] =	stream.linear.scatter [tilespmem:s29], [sflag:$0x5], $0x8000, $0x38;
	[tilespmem:$0x1A800] =	vst v63  }
0x188: {  	s0 =	sadd.s32 $0x1, s0  }
0x189: {  	p0 =	slt.s32 s0, s19  }
.Ltmp26:
0x18a: {  	(pc) =	sbr.rel @p0 .LBB2_31-.Ltmp26, $3  }
0x18b: {  	_ =	sdelay $0x1  }
0x18c: {  	s20 =	sshrl.u32 s18, $0x3  }
0x18d: {  	s18 =	sadd.s32 $0x8000, s18;
	s20 =	sadd.s32 s17, s20  }
.LBB2_32:
0x18e: {  	[hbm4b:s20+s13] =	stream.linear.scatter [tilespmem:s29], [sflag:$0x5], $0x8000, $0x38;
	[tilespmem:$0x1A800] =	vst v63  }
.LBB2_33:
0x18f: {  	s0 =	sld [smem:$0x7F6];
	_ =	sdelay $0x2  }
0x190: {  	p0 =	seq.s32 s0, $0x1  }
0x191: {  	s20 =	rddreg [dreg:$0x7];
	s0 =	simm.s32 @!p0 $0x0;
	s18 =	simm.s32 @!p0 $0x12800  }
0x192: {  	[tilespmem:s18], [sflag:$0x6] =	stream.linear.gather @!p0 [hbm4b:s20+s0], $0x8000, $0x38;
	[tilespmem:$0x1A800] =	vst v63  }
0x193: {  	s0 =	simm.s32 @!p0 $0x6  }
0x194: {  	_ =	swait.ge @!p0 [sflag:s0], $0x8000  }
0x195: {  	s23 =	sld [smem:$0x7F8];
	_ =	sdelay $0x1  }
0x196: {  	[sflag:s0] =	ssyncset.done @!p0 $0x0  }
0x197: {  	[sflag:s0] =	ssyncadd.s32 @!p0 $0xFFFF8000;
	p0 =	seq.s32 s23, $0x1  }
.Ltmp27:
0x198: {  	_ = 	snop;
	(pc) =	sbr.rel @p0 .LBB2_37-.Ltmp27, $1  }
0x199: {  	_ =	sdelay $0x3  }
0x19a: {  	s0 =	rddreg [dreg:$0x11]  }
0x19b: {  	s0 =	sadd.s32 $0x1, s0  }
0x19c: {  	p0 =	slt.s32 s0, s11  }
.Ltmp28:
0x19d: {  	_ = 	snop;
	(pc) =	sbr.rel @!p0 .LBB2_36-.Ltmp28, $4  }
0x19e: {  	_ = 	snop  }
0x19f: {  	s23 =	rddreg [dreg:$0x10]  }
0x1a0: {  	s18 =	sshrl.u32 s23, $0x3  }
0x1a1: {  	s20 =	sadd.s32 s17, s18;
	s18 =	sadd.s32 $0x8000, s23  }
.LBB2_35:
0x1a2: {  	[hbm4b:s20+s13] =	stream.linear.scatter [tilespmem:s14], [sflag:$0x5], $0x8000, $0x38;
	[tilespmem:$0x1A800] =	vst v63  }
0x1a3: {  	s0 =	sadd.s32 $0x1, s0  }
0x1a4: {  	p0 =	slt.s32 s0, s11  }
.Ltmp29:
0x1a5: {  	(pc) =	sbr.rel @p0 .LBB2_35-.Ltmp29, $3  }
0x1a6: {  	_ =	sdelay $0x1  }
0x1a7: {  	s20 =	sshrl.u32 s18, $0x3  }
0x1a8: {  	s18 =	sadd.s32 $0x8000, s18;
	s20 =	sadd.s32 s17, s20  }
.LBB2_36:
0x1a9: {  	[hbm4b:s20+s13] =	stream.linear.scatter [tilespmem:s14], [sflag:$0x5], $0x8000, $0x38;
	[tilespmem:$0x1A800] =	vst v63  }
.LBB2_37:
.Ltmp30:
0x1aa: {  	(pc) =	sbr.rel @p6 .LBB2_41-.Ltmp30, $1  }
0x1ab: {  	_ =	sdelay $0x3  }
0x1ac: {  	s0 =	rddreg [dreg:$0x12]  }
0x1ad: {  	s0 =	sadd.s32 $0x1, s0  }
0x1ae: {  	p0 =	seq.s32 s0, $0x0  }
.Ltmp31:
0x1af: {  	_ = 	snop;
	(pc) =	sbr.rel @p0 .LBB2_40-.Ltmp31, $3  }
0x1b0: {  	_ =	sdelay $0x1  }
0x1b1: {  	_ =	swait.ge [sflag:s26], $0x8000  }
0x1b2: {  	[sflag:s26] =	ssyncset.done $0x0  }
.LBB2_39:
0x1b3: {  	s0 =	sadd.s32 $0x1, s0  }
0x1b4: {  	[sflag:s26] =	ssyncadd.s32 $0xFFFF8000;
	p0 =	seq.s32 s0, $0x0  }
.Ltmp32:
0x1b5: {  	(pc) =	sbr.rel @!p0 .LBB2_39-.Ltmp32, $3  }
0x1b6: {  	_ =	sdelay $0x1  }
0x1b7: {  	_ =	swait.ge [sflag:s26], $0x8000  }
0x1b8: {  	[sflag:s26] =	ssyncset.done $0x0  }
.LBB2_40:
0x1b9: {  	[sflag:s26] =	ssyncadd.s32 $0xFFFF8000  }
.LBB2_41:
0x1ba: {  	s0 =	simm.s32 @!p1 $0x0;
	s18 =	simm.s32 @!p1 $0xA800;
	s20 =	rddreg [dreg:$0x8]  }
0x1bb: {  	[tilespmem:s18], [sflag:$0x6] =	stream.linear.gather @!p1 [hbm4b:s20+s0], $0x8000, $0x38;
	[tilespmem:$0x1A800] =	vst v63  }
0x1bc: {  	s0 =	simm.s32 @!p1 $0x6  }
0x1bd: {  	_ =	swait.ge @!p1 [sflag:s0], $0x8000  }
0x1be: {  	s23 =	sld [smem:$0x7FA];
	_ =	sdelay $0x2  }
0x1bf: {  	p0 =	seq.s32 s23, $0x1  }
.Ltmp33:
0x1c0: {  	_ = 	snop;
	(pc) =	sbr.rel @p0 .LBB2_45-.Ltmp33, $3  }
0x1c1: {  	_ =	sdelay $0x1  }
0x1c2: {  	[sflag:s0] =	ssyncset.done @!p1 $0x0  }
0x1c3: {  	[sflag:s0] =	ssyncadd.s32 @!p1 $0xFFFF8000  }
0x1c4: {  	s0 =	rddreg [dreg:$0x14]  }
0x1c5: {  	s0 =	sadd.s32 $0x1, s0  }
0x1c6: {  	p0 =	slt.s32 s0, s12  }
.Ltmp34:
0x1c7: {  	_ = 	snop;
	(pc) =	sbr.rel @!p0 .LBB2_44-.Ltmp34, $4  }
0x1c8: {  	_ = 	snop  }
0x1c9: {  	s23 =	rddreg [dreg:$0x13]  }
0x1ca: {  	s18 =	sshrl.u32 s23, $0x3  }
0x1cb: {  	s20 =	sadd.s32 s17, s18;
	s18 =	sadd.s32 $0x8000, s23  }
.LBB2_43:
0x1cc: {  	[hbm4b:s20+s13] =	stream.linear.scatter [tilespmem:s29], [sflag:$0x5], $0x8000, $0x38;
	[tilespmem:$0x1A800] =	vst v63  }
0x1cd: {  	s0 =	sadd.s32 $0x1, s0  }
0x1ce: {  	p0 =	slt.s32 s0, s12  }
.Ltmp35:
0x1cf: {  	(pc) =	sbr.rel @p0 .LBB2_43-.Ltmp35, $3  }
0x1d0: {  	_ =	sdelay $0x1  }
0x1d1: {  	s20 =	sshrl.u32 s18, $0x3  }
0x1d2: {  	s18 =	sadd.s32 $0x8000, s18;
	s20 =	sadd.s32 s17, s20  }
.LBB2_44:
0x1d3: {  	[hbm4b:s20+s13] =	stream.linear.scatter [tilespmem:s29], [sflag:$0x5], $0x8000, $0x38;
	[tilespmem:$0x1A800] =	vst v63  }
.LBB2_45:
0x1d4: {  	s0 =	sld [smem:$0x7F6];
	_ =	sdelay $0x2  }
0x1d5: {  	p0 =	seq.s32 s0, $0x1  }
.Ltmp36:
0x1d6: {  	_ = 	snop;
	(pc) =	sbr.rel @p0 .LBB2_49-.Ltmp36, $1  }
0x1d7: {  	_ =	sdelay $0x3  }
0x1d8: {  	s0 =	rddreg [dreg:$0x15]  }
0x1d9: {  	s0 =	sadd.s32 $0x1, s0  }
0x1da: {  	p0 =	seq.s32 s0, $0x0  }
.Ltmp37:
0x1db: {  	_ = 	snop;
	(pc) =	sbr.rel @p0 .LBB2_48-.Ltmp37, $3  }
0x1dc: {  	_ =	sdelay $0x1  }
0x1dd: {  	_ =	swait.ge [sflag:s26], $0x8000  }
0x1de: {  	[sflag:s26] =	ssyncset.done $0x0  }
.LBB2_47:
0x1df: {  	s0 =	sadd.s32 $0x1, s0  }
0x1e0: {  	[sflag:s26] =	ssyncadd.s32 $0xFFFF8000;
	p0 =	seq.s32 s0, $0x0  }
.Ltmp38:
0x1e1: {  	(pc) =	sbr.rel @!p0 .LBB2_47-.Ltmp38, $3  }
0x1e2: {  	_ =	sdelay $0x1  }
0x1e3: {  	_ =	swait.ge [sflag:s26], $0x8000  }
0x1e4: {  	[sflag:s26] =	ssyncset.done $0x0  }
.LBB2_48:
0x1e5: {  	[sflag:s26] =	ssyncadd.s32 $0xFFFF8000  }
.LBB2_49:
0x1e6: {  	s0 =	simm.s32 @!p2 $0x0;
	s18 =	simm.s32 @!p2 $0x12800;
	s20 =	rddreg [dreg:$0x9]  }
0x1e7: {  	[tilespmem:s18], [sflag:$0x6] =	stream.linear.gather @!p2 [hbm4b:s20+s0], $0x8000, $0x38;
	[tilespmem:$0x1A800] =	vst v63  }
0x1e8: {  	s0 =	simm.s32 @!p2 $0x6  }
0x1e9: {  	_ =	swait.ge @!p2 [sflag:s0], $0x8000  }
0x1ea: {  	s23 =	sld [smem:$0x7FC];
	_ =	sdelay $0x2  }
0x1eb: {  	p0 =	seq.s32 s23, $0x1  }
.Ltmp39:
0x1ec: {  	_ = 	snop;
	(pc) =	sbr.rel @p0 .LBB2_53-.Ltmp39, $3  }
0x1ed: {  	_ =	sdelay $0x1  }
0x1ee: {  	[sflag:s0] =	ssyncset.done @!p2 $0x0  }
0x1ef: {  	[sflag:s0] =	ssyncadd.s32 @!p2 $0xFFFF8000  }
0x1f0: {  	s0 =	rddreg [dreg:$0x17]  }
0x1f1: {  	s0 =	sadd.s32 $0x1, s0  }
0x1f2: {  	p0 =	slt.s32 s0, s16  }
.Ltmp40:
0x1f3: {  	_ = 	snop;
	(pc) =	sbr.rel @!p0 .LBB2_52-.Ltmp40, $4  }
0x1f4: {  	_ = 	snop  }
0x1f5: {  	s23 =	rddreg [dreg:$0x16]  }
0x1f6: {  	s18 =	sshrl.u32 s23, $0x3  }
0x1f7: {  	s20 =	sadd.s32 s17, s18;
	s18 =	sadd.s32 $0x8000, s23  }
.LBB2_51:
0x1f8: {  	[hbm4b:s20+s13] =	stream.linear.scatter [tilespmem:s14], [sflag:$0x5], $0x8000, $0x38;
	[tilespmem:$0x1A800] =	vst v63  }
0x1f9: {  	s0 =	sadd.s32 $0x1, s0  }
0x1fa: {  	p0 =	slt.s32 s0, s16  }
.Ltmp41:
0x1fb: {  	(pc) =	sbr.rel @p0 .LBB2_51-.Ltmp41, $3  }
0x1fc: {  	_ =	sdelay $0x1  }
0x1fd: {  	s20 =	sshrl.u32 s18, $0x3  }
0x1fe: {  	s18 =	sadd.s32 $0x8000, s18;
	s20 =	sadd.s32 s17, s20  }
.LBB2_52:
0x1ff: {  	[hbm4b:s20+s13] =	stream.linear.scatter [tilespmem:s14], [sflag:$0x5], $0x8000, $0x38;
	[tilespmem:$0x1A800] =	vst v63  }
.LBB2_53:
.Ltmp42:
0x200: {  	(pc) =	sbr.rel @p1 .LBB2_57-.Ltmp42, $1  }
0x201: {  	_ =	sdelay $0x3  }
0x202: {  	s0 =	rddreg [dreg:$0x18]  }
0x203: {  	s0 =	sadd.s32 $0x1, s0  }
0x204: {  	p0 =	seq.s32 s0, $0x0  }
.Ltmp43:
0x205: {  	_ = 	snop;
	(pc) =	sbr.rel @p0 .LBB2_56-.Ltmp43, $3  }
0x206: {  	_ =	sdelay $0x1  }
0x207: {  	_ =	swait.ge [sflag:s26], $0x8000  }
0x208: {  	[sflag:s26] =	ssyncset.done $0x0  }
.LBB2_55:
0x209: {  	s0 =	sadd.s32 $0x1, s0  }
0x20a: {  	[sflag:s26] =	ssyncadd.s32 $0xFFFF8000;
	p0 =	seq.s32 s0, $0x0  }
.Ltmp44:
0x20b: {  	(pc) =	sbr.rel @!p0 .LBB2_55-.Ltmp44, $3  }
0x20c: {  	_ =	sdelay $0x1  }
0x20d: {  	_ =	swait.ge [sflag:s26], $0x8000  }
0x20e: {  	[sflag:s26] =	ssyncset.done $0x0  }
.LBB2_56:
0x20f: {  	[sflag:s26] =	ssyncadd.s32 $0xFFFF8000  }
.LBB2_57:
.Ltmp45:
0x210: {  	(pc) =	sbr.rel @p2 .LBB2_61-.Ltmp45, $1  }
0x211: {  	_ =	sdelay $0x3  }
0x212: {  	s0 =	rddreg [dreg:$0x19]  }
0x213: {  	s0 =	sadd.s32 $0x1, s0  }
0x214: {  	p0 =	seq.s32 s0, $0x0  }
.Ltmp46:
0x215: {  	_ = 	snop;
	(pc) =	sbr.rel @p0 .LBB2_60-.Ltmp46, $3  }
0x216: {  	_ =	sdelay $0x1  }
0x217: {  	_ =	swait.ge [sflag:s26], $0x8000  }
0x218: {  	[sflag:s26] =	ssyncset.done $0x0  }
.LBB2_59:
0x219: {  	s0 =	sadd.s32 $0x1, s0  }
0x21a: {  	[sflag:s26] =	ssyncadd.s32 $0xFFFF8000;
	p0 =	seq.s32 s0, $0x0  }
.Ltmp47:
0x21b: {  	(pc) =	sbr.rel @!p0 .LBB2_59-.Ltmp47, $3  }
0x21c: {  	_ =	sdelay $0x1  }
0x21d: {  	_ =	swait.ge [sflag:s26], $0x8000  }
0x21e: {  	[sflag:s26] =	ssyncset.done $0x0  }
.Ltmp48:
0x21f: {  	_ = 	snop;
	(pc) =	sbr.rel .LBB2_60-.Ltmp48, $1  }
0x220: {  	_ =	sdelay $0x3  }
.LBB2_62:
0x221: {  	_ =	sfence.sel $0x180000  }
0x222: {  	[bflag:$0x0] =	sbarrier.arrive $0xFFFF  }
0x223: {  	_ =	strace $0x90000047  }
0x224: {  	s0 =	stileid.u32;
	[bflag:$0x2] =	sbarrier.arrive $0xFFFF  }
0x225: {  	p0 =	sne.s32 s0, $0x0;
	s0 =	rddreg [dreg:$0x4]  }
0x226: {  	s0 =	sadd.s32 @!p0 $0x100000, s0  }
0x227: {  	[sflag:s0] =	ssyncadd.tile.s32 @!p0 $0x1;
	_ =	shalt  }
.Lfunc_end2:
_tile_overlayer_lowered:
.L_overlay_start_2:
0x228: {  	(tag) =	ssettag $0x2  }
0x229: {  	s0 =	rddreg [dreg:$0x0];
	s2 =	stileid.u32  }
0x22a: {  	s1 =	rddreg [dreg:$0x1];
	p0 =	sne.s32 s2, $0x0  }
0x22b: {  	s3 =	rddreg [dreg:$0x2];
	[bflag:$0x3] =	sbarrier.arrive $0xFFFF;
	s2 =	simm.s32 @!p0 $0x1C06  }
0x22c: {  	[timem:s3], [sflag:s2] =	dma.local @!p0 [hbm:s0], s1  }
0x22d: {  	s0 =	simm.s32 @!p0 $0x6  }
0x22e: {  	_ =	swait.ge @!p0 [sflag:s0], s1  }
0x22f: {  	s1 =	ssub.s32 @!p0 $0x0, s1;
	[sflag:s0] =	ssyncset.done @!p0 $0x0  }
0x230: {  	[sflag:s0] =	ssyncadd.s32 @!p0 s1  }
0x231: {  	[bflag:$0x3] =	sbarrier.arrive $0xFFFF  }
0x232: {  	_ =	shalt  }

</sc_bundles>
